<compile_context>
chip_gen: v7x
topology: tpu7x:2x2x1
jax: 0.10.2.dev20260603
libtpu: 0.0.44.dev20260713+nightly
codegen_flags: <defaults>
</compile_context>

<pallas_src>
import dataclasses
import functools

import jax
import jax.numpy as jnp
from jax import lax
from jax.experimental import pallas as pl
from jax.experimental.pallas import tpu as pltpu
from jax.experimental.pallas import tpu_sc as plsc

_N = 10000
_E = 320000
_NC = 2
_NS = 16
_NW = _NC * _NS
_C = 128
_K = 79
_EPAD = _NW * _K * _C
_NPAD = 10112
_RPS = _NPAD // _NS


def _prep_edges(edge_index):
    src = edge_index[0]
    dst = edge_index[1]
    pad = _EPAD - _E
    src = jnp.concatenate([src, jnp.zeros((pad,), jnp.int32)])
    dst = jnp.concatenate([dst, jnp.full((pad,), _N, jnp.int32)])
    return (src.reshape(_NW, _K, _C), dst.reshape(_NW, _K, _C),
            dst.reshape(_NW, _K * _C))


def _sc_mesh():
    return plsc.VectorSubcoreMesh(core_axis_name="c", subcore_axis_name="s")


_PW = _K * _C


def _sc_hist(dst_w, z_hbm):

    @functools.partial(
        pl.kernel,
        out_type=jax.ShapeDtypeStruct((_NW, _NPAD), jnp.float32),
        mesh=_sc_mesh(),
        scratch_types=[
            pltpu.VMEM((_PW,), jnp.int32),
            pltpu.VMEM((_NPAD,), jnp.float32),
        ],
        compiler_params=dataclasses.replace(
            pltpu.CompilerParams(), needs_layout_passes=False),
    )
    def hist_kernel(dst_hbm, z_h, out_hbm, idx_v, acc):
        cid = lax.axis_index("c")
        sid = lax.axis_index("s")
        wid = cid * _NS + sid
        pltpu.sync_copy(z_h, acc)
        pltpu.sync_copy(dst_hbm.at[wid], idx_v)
        ones = jnp.ones((16,), jnp.float32)

        @pl.loop(0, _PW // 16)
        def _(i):
            iv = idx_v[pl.ds(i * 16, 16)]
            plsc.addupdate_scatter(acc, [iv], ones)

        pltpu.sync_copy(acc, out_hbm.at[wid])

    return hist_kernel(dst_w, z_hbm)


def _sc_scatter(y, src_w, dst_w, zrows_hbm, d):

    @functools.partial(
        pl.kernel,
        out_type=jax.ShapeDtypeStruct((_NC, _NPAD, d), jnp.float32),
        mesh=_sc_mesh(),
        scratch_types=[
            pltpu.VMEM((_K, _C), jnp.int32),
            pltpu.VMEM((_K, _C), jnp.int32),
            pltpu.VMEM((_C, d), jnp.float32),
            pltpu.VMEM_SHARED((_NPAD, d), jnp.float32),
            pltpu.SemaphoreType.DMA,
        ],
    )
    def scatter_kernel(y_hbm, src_hbm, dst_hbm, z_h, out_hbm,
                       ixs, ixd, buf, acc, sem):
        cid = lax.axis_index("c")
        sid = lax.axis_index("s")
        wid = cid * _NS + sid
        base = sid * _RPS
        pltpu.sync_copy(z_h, acc.at[pl.ds(base, _RPS)])
        pltpu.sync_copy(src_hbm.at[wid], ixs)
        pltpu.sync_copy(dst_hbm.at[wid], ixd)
        plsc.subcore_barrier()

        @pl.loop(0, _K)
        def _(j):
            pltpu.async_copy(y_hbm.at[ixs.at[j]], buf, sem).wait()
            pltpu.sync_copy(buf, acc.at[ixd.at[j]], add=True)

        plsc.subcore_barrier()
        pltpu.sync_copy(acc.at[pl.ds(base, _RPS)],
                        out_hbm.at[cid].at[pl.ds(base, _RPS)])

    return scatter_kernel(y, src_w, dst_w, zrows_hbm)


def _dinv_from_hist(hist_ref):
    deg = jnp.sum(hist_ref[:, :_N], axis=0) + 1.0
    return lax.rsqrt(deg)


def _tc_layer_in(x, w, hist):

    def body(x_ref, w_ref, h_ref, y_ref):
        dinv = _dinv_from_hist(h_ref)
        xw = jnp.dot(x_ref[...], w_ref[...],
                     preferred_element_type=jnp.float32)
        y_ref[...] = xw * dinv[:, None]

    return pl.pallas_call(
        body,
        out_shape=jax.ShapeDtypeStruct((_N, w.shape[1]), jnp.float32),
    )(x, w, hist)


def _tc_layer_mid(s, y0, hist, w, b):

    def body(s_ref, y0_ref, h_ref, w_ref, b_ref, y_ref):
        dinv = _dinv_from_hist(h_ref)
        agg = s_ref[0, :_N, :] + s_ref[1, :_N, :] + y0_ref[...]
        hid = jnp.maximum(agg * dinv[:, None] + b_ref[...][None, :], 0.0)
        y_ref[...] = jnp.dot(hid, w_ref[...],
                             preferred_element_type=jnp.float32) * dinv[:, None]

    return pl.pallas_call(
        body,
        out_shape=jax.ShapeDtypeStruct((_N, w.shape[1]), jnp.float32),
    )(s, y0, hist, w, b)


def _tc_layer_out(s, y1, hist, b, d_out):

    def body(s_ref, y1_ref, h_ref, b_ref, z_ref):
        dinv = _dinv_from_hist(h_ref)
        agg = (s_ref[0, :_N, :d_out] + s_ref[1, :_N, :d_out]
               + y1_ref[:, :d_out])
        z_ref[...] = jnp.maximum(agg * dinv[:, None] + b_ref[...][None, :], 0.0)

    return pl.pallas_call(
        body,
        out_shape=jax.ShapeDtypeStruct((_N, d_out), jnp.float32),
    )(s, y1, hist, b)


def kernel(x_a, edge_a, x_b, edge_b, W0, b0, W1, b1):
    src_a, dstw_a, dst_a = _prep_edges(edge_a)
    src_b, dstw_b, dst_b = _prep_edges(edge_b)
    zN = jnp.zeros((_NPAD,), jnp.float32)
    z128 = jnp.zeros((_RPS, 128), jnp.float32)
    W1p = jnp.pad(W1, ((0, 0), (0, 128 - W1.shape[1])))

    hist_a = _sc_hist(dst_a, zN)
    hist_b = _sc_hist(dst_b, zN)

    y0a = _tc_layer_in(x_a, W0, hist_a)
    s0a = _sc_scatter(y0a, src_a, dstw_a, z128, 128)
    y0b = _tc_layer_in(x_b, W0, hist_b)
    s0b = _sc_scatter(y0b, src_b, dstw_b, z128, 128)

    y1a = _tc_layer_mid(s0a, y0a, hist_a, W1p, b0)
    s1a = _sc_scatter(y1a, src_a, dstw_a, z128, 128)
    y1b = _tc_layer_mid(s0b, y0b, hist_b, W1p, b0)
    s1b = _sc_scatter(y1b, src_b, dstw_b, z128, 128)

    z_a = _tc_layer_out(s1a, y1a, hist_a, b1, 64)
    z_b = _tc_layer_out(s1b, y1b, hist_b, b1, 64)
    return (z_a, z_b)

# --- scband reference (transcript-rebuilt; emitter-appended) ---
"""Pipeline reference for scband-dc-21921513078817 (READ-ONLY COPY).

The authoritative reference and input builder live on the scoring server;
editing this copy changes nothing except your own understanding.
"""

import jax, jax.numpy as jnp
import numpy as np

N = 10000
E = 320000
D_IN = 128
HID = 64  # hidden_channels; intermediate width = 2*HID = 128, output = HID = 64
NUM_LAYERS = 2


def setup_inputs(seed: int = 0) -> dict:
    key = jax.random.key(seed)
    ks = jax.random.split(key, 8)
    x_a = jax.random.normal(ks[0], (N, D_IN), dtype=jnp.float32)
    edge_a = jax.random.randint(ks[1], (2, E), 0, N, dtype=jnp.int32)
    x_b = jax.random.normal(ks[2], (N, D_IN), dtype=jnp.float32)
    edge_b = jax.random.randint(ks[3], (2, E), 0, N, dtype=jnp.int32)
    # GCNConv 0: in_channels -> 2*hidden (128 -> 128)
    W0 = jax.random.normal(ks[4], (D_IN, 2 * HID), dtype=jnp.float32) * (1.0 / np.sqrt(D_IN))
    b0 = jnp.zeros((2 * HID,), dtype=jnp.float32)
    # GCNConv 1: 2*hidden -> hidden (128 -> 64)
    W1 = jax.random.normal(ks[5], (2 * HID, HID), dtype=jnp.float32) * (1.0 / np.sqrt(2 * HID))
    b1 = jnp.zeros((HID,), dtype=jnp.float32)
    return {"x_a": x_a, "edge_a": edge_a, "x_b": x_b, "edge_b": edge_b,
            "W0": W0, "b0": b0, "W1": W1, "b1": b1}


def gcn_conv(x, edge_index, W, b):
    # Faithful PyG GCNConv: x' = D^{-1/2} (A + I) D^{-1/2} (x W) + b
    n = x.shape[0]
    x = x @ W
    src = edge_index[0]
    dst = edge_index[1]
    loop = jnp.arange(n, dtype=src.dtype)
    src = jnp.concatenate([src, loop])
    dst = jnp.concatenate([dst, loop])
    deg = jnp.zeros((n,), dtype=x.dtype).at[dst].add(1.0)
    dinv = jax.lax.rsqrt(jnp.maximum(deg, 1e-12))
    norm = dinv[src] * dinv[dst]
    msgs = jnp.take(x, src, axis=0) * norm[:, None]
    out = jax.ops.segment_sum(msgs, dst, num_segments=n)
    return out + b


def encode(x, edge_index, params):
    for (W, b) in params:
        x = jax.nn.relu(gcn_conv(x, edge_index, W, b))
    return x


def reference(x_a, edge_a, x_b, edge_b, W0, b0, W1, b1):
    params = [(W0, b0), (W1, b1)]
    z_a = encode(x_a, edge_a, params)
    z_b = encode(x_b, edge_b, params)
    return (z_a, z_b)

if __name__ == "__main__":
    import jax
    _d = setup_inputs()
    print(jax.jit(kernel)(*tuple(_d.values())))

</pallas_src>

<mosaic_0001>
#map = affine_map<(d0, d1) -> (0, 0)>
#map1 = affine_map<(d0, d1) -> (0, 0, 0)>
module attributes {stable_mosaic.version = 14 : i64} {
  func.func @scatter_kernel(%arg0: i32, %arg1: i32, %arg2: memref<10000x128xf32, #tpu.memory_space<hbm>>, %arg3: memref<32x79x128xi32, #tpu.memory_space<hbm>>, %arg4: memref<32x79x128xi32, #tpu.memory_space<hbm>>, %arg5: memref<632x128xf32, #tpu.memory_space<hbm>>, %arg6: memref<2x10112x128xf32, #tpu.memory_space<hbm>>, %arg7: memref<79x128xi32, #tpu.memory_space<vmem>>, %arg8: memref<79x128xi32, #tpu.memory_space<vmem>>, %arg9: memref<128x128xf32, #tpu.memory_space<vmem>>, %arg10: memref<10112x128xf32, #tpu.memory_space<vmem_shared>>, %arg11: memref<!tpu.dma_semaphore, #tpu.memory_space<semaphore_mem>>) attributes {dimension_semantics = [#tpu.dimension_semantics<core_parallel>, #tpu.dimension_semantics<subcore_parallel>], iteration_bounds = array<i64: 2, 16>, scalar_prefetch = 0 : i64, scratch_operands = 5 : i64, tpu.core_type = #tpu.core_type<sc_vector_subcore>, window_params = [{transform_indices = #map}, {transform_indices = #map1}, {transform_indices = #map1}, {transform_indices = #map}, {transform_indices = #map1}]} {
    %mul3A = arith.constant 16 : i32
    %mul3A_0 = arith.muli %arg0, %mul3A : i32
    %add3A = arith.addi %mul3A_0, %arg1 : i32
    %mul3A_1 = arith.constant 632 : i32
    %mul3A_2 = arith.muli %arg1, %mul3A_1 : i32
    "tpu.region"() ({
      %run_scoped3A = tpu.sem_alloc : memref<!tpu.dma_semaphore, #tpu.memory_space<semaphore_mem>>
      %dma_start3A = arith.constant 0 : i32
      %dma_start3A_8 = tpu.memref_slice %arg10[%mul3A_2, %dma_start3A] : memref<10112x128xf32, #tpu.memory_space<vmem_shared>> -> memref<632x128xf32, #tpu.memory_space<vmem_shared>>
      tpu.enqueue_dma source(%arg5 : memref<632x128xf32, #tpu.memory_space<hbm>>) target(%dma_start3A_8 : memref<632x128xf32, #tpu.memory_space<vmem_shared>>) target_semaphore(%run_scoped3A : memref<!tpu.dma_semaphore, #tpu.memory_space<semaphore_mem>>)
      %dma_wait3A = arith.constant 0 : i32
      %dma_wait3A_9 = tpu.memref_slice %arg10[%mul3A_2, %dma_wait3A] : memref<10112x128xf32, #tpu.memory_space<vmem_shared>> -> memref<632x128xf32, #tpu.memory_space<vmem_shared>>
      tpu.wait_dma2 semaphore(%run_scoped3A : memref<!tpu.dma_semaphore, #tpu.memory_space<semaphore_mem>>) src(%arg5 : memref<632x128xf32, #tpu.memory_space<hbm>>) dst(%dma_wait3A_9 : memref<632x128xf32, #tpu.memory_space<vmem_shared>>)
      tpu.yield
    }) : () -> ()
    "tpu.region"() ({
      %run_scoped3A = tpu.sem_alloc : memref<!tpu.dma_semaphore, #tpu.memory_space<semaphore_mem>>
      %dma_start3A = arith.constant 0 : i32
      %dma_start3A_8 = arith.constant 0 : i32
      %dma_start3A_9 = tpu.memref_slice %arg3[%add3A, %dma_start3A, %dma_start3A_8] : memref<32x79x128xi32, #tpu.memory_space<hbm>> -> memref<1x79x128xi32, #tpu.memory_space<hbm>>
      %dma_start3A_10 = tpu.memref_squeeze %dma_start3A_9 : memref<1x79x128xi32, #tpu.memory_space<hbm>> -> memref<79x128xi32, #tpu.memory_space<hbm>>
      %dma_start3A_11 = arith.constant 0 : i32
      %dma_start3A_12 = arith.constant 0 : i32
      %dma_start3A_13 = tpu.memref_slice %arg3[%add3A, %dma_start3A_11, %dma_start3A_12] : memref<32x79x128xi32, #tpu.memory_space<hbm>> -> memref<1x79x128xi32, #tpu.memory_space<hbm>>
      %dma_start3A_14 = tpu.memref_squeeze %dma_start3A_13 : memref<1x79x128xi32, #tpu.memory_space<hbm>> -> memref<79x128xi32, #tpu.memory_space<hbm>>
      tpu.enqueue_dma source(%dma_start3A_14 : memref<79x128xi32, #tpu.memory_space<hbm>>) target(%arg7 : memref<79x128xi32, #tpu.memory_space<vmem>>) target_semaphore(%run_scoped3A : memref<!tpu.dma_semaphore, #tpu.memory_space<semaphore_mem>>)
      %dma_wait3A = arith.constant 0 : i32
      %dma_wait3A_15 = arith.constant 0 : i32
      %dma_wait3A_16 = tpu.memref_slice %arg3[%add3A, %dma_wait3A, %dma_wait3A_15] : memref<32x79x128xi32, #tpu.memory_space<hbm>> -> memref<1x79x128xi32, #tpu.memory_space<hbm>>
      %dma_wait3A_17 = tpu.memref_squeeze %dma_wait3A_16 : memref<1x79x128xi32, #tpu.memory_space<hbm>> -> memref<79x128xi32, #tpu.memory_space<hbm>>
      %dma_wait3A_18 = arith.constant 0 : i32
      %dma_wait3A_19 = arith.constant 0 : i32
      %dma_wait3A_20 = tpu.memref_slice %arg3[%add3A, %dma_wait3A_18, %dma_wait3A_19] : memref<32x79x128xi32, #tpu.memory_space<hbm>> -> memref<1x79x128xi32, #tpu.memory_space<hbm>>
      %dma_wait3A_21 = tpu.memref_squeeze %dma_wait3A_20 : memref<1x79x128xi32, #tpu.memory_space<hbm>> -> memref<79x128xi32, #tpu.memory_space<hbm>>
      tpu.wait_dma2 semaphore(%run_scoped3A : memref<!tpu.dma_semaphore, #tpu.memory_space<semaphore_mem>>) src(%dma_wait3A_21 : memref<79x128xi32, #tpu.memory_space<hbm>>) dst(%arg7 : memref<79x128xi32, #tpu.memory_space<vmem>>)
      tpu.yield
    }) : () -> ()
    "tpu.region"() ({
      %run_scoped3A = tpu.sem_alloc : memref<!tpu.dma_semaphore, #tpu.memory_space<semaphore_mem>>
      %dma_start3A = arith.constant 0 : i32
      %dma_start3A_8 = arith.constant 0 : i32
      %dma_start3A_9 = tpu.memref_slice %arg4[%add3A, %dma_start3A, %dma_start3A_8] : memref<32x79x128xi32, #tpu.memory_space<hbm>> -> memref<1x79x128xi32, #tpu.memory_space<hbm>>
      %dma_start3A_10 = tpu.memref_squeeze %dma_start3A_9 : memref<1x79x128xi32, #tpu.memory_space<hbm>> -> memref<79x128xi32, #tpu.memory_space<hbm>>
      %dma_start3A_11 = arith.constant 0 : i32
      %dma_start3A_12 = arith.constant 0 : i32
      %dma_start3A_13 = tpu.memref_slice %arg4[%add3A, %dma_start3A_11, %dma_start3A_12] : memref<32x79x128xi32, #tpu.memory_space<hbm>> -> memref<1x79x128xi32, #tpu.memory_space<hbm>>
      %dma_start3A_14 = tpu.memref_squeeze %dma_start3A_13 : memref<1x79x128xi32, #tpu.memory_space<hbm>> -> memref<79x128xi32, #tpu.memory_space<hbm>>
      tpu.enqueue_dma source(%dma_start3A_14 : memref<79x128xi32, #tpu.memory_space<hbm>>) target(%arg8 : memref<79x128xi32, #tpu.memory_space<vmem>>) target_semaphore(%run_scoped3A : memref<!tpu.dma_semaphore, #tpu.memory_space<semaphore_mem>>)
      %dma_wait3A = arith.constant 0 : i32
      %dma_wait3A_15 = arith.constant 0 : i32
      %dma_wait3A_16 = tpu.memref_slice %arg4[%add3A, %dma_wait3A, %dma_wait3A_15] : memref<32x79x128xi32, #tpu.memory_space<hbm>> -> memref<1x79x128xi32, #tpu.memory_space<hbm>>
      %dma_wait3A_17 = tpu.memref_squeeze %dma_wait3A_16 : memref<1x79x128xi32, #tpu.memory_space<hbm>> -> memref<79x128xi32, #tpu.memory_space<hbm>>
      %dma_wait3A_18 = arith.constant 0 : i32
      %dma_wait3A_19 = arith.constant 0 : i32
      %dma_wait3A_20 = tpu.memref_slice %arg4[%add3A, %dma_wait3A_18, %dma_wait3A_19] : memref<32x79x128xi32, #tpu.memory_space<hbm>> -> memref<1x79x128xi32, #tpu.memory_space<hbm>>
      %dma_wait3A_21 = tpu.memref_squeeze %dma_wait3A_20 : memref<1x79x128xi32, #tpu.memory_space<hbm>> -> memref<79x128xi32, #tpu.memory_space<hbm>>
      tpu.wait_dma2 semaphore(%run_scoped3A : memref<!tpu.dma_semaphore, #tpu.memory_space<semaphore_mem>>) src(%dma_wait3A_21 : memref<79x128xi32, #tpu.memory_space<hbm>>) dst(%arg8 : memref<79x128xi32, #tpu.memory_space<vmem>>)
      tpu.yield
    }) : () -> ()
    %barrier3A = arith.constant 0 : index
    tpu.barrier barrier_id(%barrier3A)
    %scan3A = arith.constant 0 : i32
    %scan3A_3 = arith.constant 79 : i32
    %scan3A_4 = arith.addi %scan3A, %scan3A_3 : i32
    %scan3A_5 = arith.constant 1 : i32
    scf.for %scan3A_8 = %scan3A to %scan3A_4 step %scan3A_5  : i32 {
      %mul3A_9 = arith.constant 1 : i32
      %mul3A_10 = arith.muli %scan3A_8, %mul3A_9 : i32
      %add3A_11 = arith.constant 0 : i32
      %add3A_12 = arith.addi %add3A_11, %mul3A_10 : i32
      %dma_start3A = arith.constant 0 : i32
      %dma_start3A_13 = tpu.memref_slice %arg7[%add3A_12, %dma_start3A] : memref<79x128xi32, #tpu.memory_space<vmem>> -> memref<1x128xi32, #tpu.memory_space<vmem>>
      %dma_start3A_14 = tpu.memref_squeeze %dma_start3A_13 : memref<1x128xi32, #tpu.memory_space<vmem>> -> memref<128xi32, #tpu.memory_space<vmem>>
      %dma_start3A_15 = arith.constant 0 : i32
      %dma_start3A_16 = arith.constant 0 : i32
      %dma_start3A_17 = tpu.memref_slice %arg2[%dma_start3A_15, %dma_start3A_16] : memref<10000x128xf32, #tpu.memory_space<hbm>> -> memref<10000x128xf32, #tpu.memory_space<hbm>>
      tpu.enqueue_indirect_dma source(%dma_start3A_17 : memref<10000x128xf32, #tpu.memory_space<hbm>>) target(%arg9 : memref<128x128xf32, #tpu.memory_space<vmem>>) offsets(%dma_start3A_14 : memref<128xi32, #tpu.memory_space<vmem>>) semaphore(%arg11 : memref<!tpu.dma_semaphore, #tpu.memory_space<semaphore_mem>>)
      %dma_wait3A = arith.constant 0 : i32
      %dma_wait3A_18 = tpu.memref_slice %arg7[%add3A_12, %dma_wait3A] : memref<79x128xi32, #tpu.memory_space<vmem>> -> memref<1x128xi32, #tpu.memory_space<vmem>>
      %dma_wait3A_19 = tpu.memref_squeeze %dma_wait3A_18 : memref<1x128xi32, #tpu.memory_space<vmem>> -> memref<128xi32, #tpu.memory_space<vmem>>
      %dma_wait3A_20 = arith.constant 0 : i32
      %dma_wait3A_21 = arith.constant 0 : i32
      %dma_wait3A_22 = tpu.memref_slice %arg2[%dma_wait3A_20, %dma_wait3A_21] : memref<10000x128xf32, #tpu.memory_space<hbm>> -> memref<10000x128xf32, #tpu.memory_space<hbm>>
      tpu.wait_indirect_dma semaphore(%arg11 : memref<!tpu.dma_semaphore, #tpu.memory_space<semaphore_mem>>) src(%dma_wait3A_22 : memref<10000x128xf32, #tpu.memory_space<hbm>>) dst(%arg9 : memref<128x128xf32, #tpu.memory_space<vmem>>)
      "tpu.region"() ({
        %run_scoped3A = tpu.sem_alloc : memref<!tpu.dma_semaphore, #tpu.memory_space<semaphore_mem>>
        %dma_start3A_23 = arith.constant 0 : i32
        %dma_start3A_24 = tpu.memref_slice %arg8[%add3A_12, %dma_start3A_23] : memref<79x128xi32, #tpu.memory_space<vmem>> -> memref<1x128xi32, #tpu.memory_space<vmem>>
        %dma_start3A_25 = tpu.memref_squeeze %dma_start3A_24 : memref<1x128xi32, #tpu.memory_space<vmem>> -> memref<128xi32, #tpu.memory_space<vmem>>
        %dma_start3A_26 = arith.constant 0 : i32
        %dma_start3A_27 = arith.constant 0 : i32
        %dma_start3A_28 = tpu.memref_slice %arg10[%dma_start3A_26, %dma_start3A_27] : memref<10112x128xf32, #tpu.memory_space<vmem_shared>> -> memref<10112x128xf32, #tpu.memory_space<vmem_shared>>
        tpu.enqueue_indirect_dma source(%arg9 : memref<128x128xf32, #tpu.memory_space<vmem>>) target(%dma_start3A_28 : memref<10112x128xf32, #tpu.memory_space<vmem_shared>>) offsets(%dma_start3A_25 : memref<128xi32, #tpu.memory_space<vmem>>) semaphore(%run_scoped3A : memref<!tpu.dma_semaphore, #tpu.memory_space<semaphore_mem>>) {add = true}
        %dma_wait3A_29 = arith.constant 0 : i32
        %dma_wait3A_30 = tpu.memref_slice %arg8[%add3A_12, %dma_wait3A_29] : memref<79x128xi32, #tpu.memory_space<vmem>> -> memref<1x128xi32, #tpu.memory_space<vmem>>
        %dma_wait3A_31 = tpu.memref_squeeze %dma_wait3A_30 : memref<1x128xi32, #tpu.memory_space<vmem>> -> memref<128xi32, #tpu.memory_space<vmem>>
        %dma_wait3A_32 = arith.constant 0 : i32
        %dma_wait3A_33 = arith.constant 0 : i32
        %dma_wait3A_34 = tpu.memref_slice %arg10[%dma_wait3A_32, %dma_wait3A_33] : memref<10112x128xf32, #tpu.memory_space<vmem_shared>> -> memref<10112x128xf32, #tpu.memory_space<vmem_shared>>
        tpu.wait_indirect_dma semaphore(%run_scoped3A : memref<!tpu.dma_semaphore, #tpu.memory_space<semaphore_mem>>) src(%arg9 : memref<128x128xf32, #tpu.memory_space<vmem>>) dst(%dma_wait3A_34 : memref<10112x128xf32, #tpu.memory_space<vmem_shared>>)
        tpu.yield
      }) : () -> ()
    }
    %scan3A_6 = arith.constant 79 : i32
    %barrier3A_7 = arith.constant 0 : index
    tpu.barrier barrier_id(%barrier3A_7)
    "tpu.region"() ({
      %run_scoped3A = tpu.sem_alloc : memref<!tpu.dma_semaphore, #tpu.memory_space<semaphore_mem>>
      %dma_start3A = arith.constant 0 : i32
      %dma_start3A_8 = arith.constant 0 : i32
      %dma_start3A_9 = tpu.memref_slice %arg6[%arg0, %dma_start3A, %dma_start3A_8] : memref<2x10112x128xf32, #tpu.memory_space<hbm>> -> memref<1x10112x128xf32, #tpu.memory_space<hbm>>
      %dma_start3A_10 = tpu.memref_squeeze %dma_start3A_9 : memref<1x10112x128xf32, #tpu.memory_space<hbm>> -> memref<10112x128xf32, #tpu.memory_space<hbm>>
      %dma_start3A_11 = arith.constant 0 : i32
      %dma_start3A_12 = tpu.memref_slice %dma_start3A_10[%mul3A_2, %dma_start3A_11] : memref<10112x128xf32, #tpu.memory_space<hbm>> -> memref<632x128xf32, #tpu.memory_space<hbm>>
      %dma_start3A_13 = arith.constant 0 : i32
      %dma_start3A_14 = tpu.memref_slice %arg10[%mul3A_2, %dma_start3A_13] : memref<10112x128xf32, #tpu.memory_space<vmem_shared>> -> memref<632x128xf32, #tpu.memory_space<vmem_shared>>
      tpu.enqueue_dma source(%dma_start3A_14 : memref<632x128xf32, #tpu.memory_space<vmem_shared>>) target(%dma_start3A_12 : memref<632x128xf32, #tpu.memory_space<hbm>>) target_semaphore(%run_scoped3A : memref<!tpu.dma_semaphore, #tpu.memory_space<semaphore_mem>>)
      %dma_wait3A = arith.constant 0 : i32
      %dma_wait3A_15 = arith.constant 0 : i32
      %dma_wait3A_16 = tpu.memref_slice %arg6[%arg0, %dma_wait3A, %dma_wait3A_15] : memref<2x10112x128xf32, #tpu.memory_space<hbm>> -> memref<1x10112x128xf32, #tpu.memory_space<hbm>>
      %dma_wait3A_17 = tpu.memref_squeeze %dma_wait3A_16 : memref<1x10112x128xf32, #tpu.memory_space<hbm>> -> memref<10112x128xf32, #tpu.memory_space<hbm>>
      %dma_wait3A_18 = arith.constant 0 : i32
      %dma_wait3A_19 = tpu.memref_slice %dma_wait3A_17[%mul3A_2, %dma_wait3A_18] : memref<10112x128xf32, #tpu.memory_space<hbm>> -> memref<632x128xf32, #tpu.memory_space<hbm>>
      %dma_wait3A_20 = arith.constant 0 : i32
      %dma_wait3A_21 = tpu.memref_slice %arg10[%mul3A_2, %dma_wait3A_20] : memref<10112x128xf32, #tpu.memory_space<vmem_shared>> -> memref<632x128xf32, #tpu.memory_space<vmem_shared>>
      tpu.wait_dma2 semaphore(%run_scoped3A : memref<!tpu.dma_semaphore, #tpu.memory_space<semaphore_mem>>) src(%dma_wait3A_21 : memref<632x128xf32, #tpu.memory_space<vmem_shared>>) dst(%dma_wait3A_19 : memref<632x128xf32, #tpu.memory_space<hbm>>)
      tpu.yield
    }) : () -> ()
    return
  }
}

#map = affine_map<(d0, d1) -> (0, 0)>
#map1 = affine_map<(d0, d1) -> (0)>
module attributes {stable_mosaic.version = 14 : i64} {
  func.func @hist_kernel(%arg0: i32, %arg1: i32, %arg2: memref<32x10112xi32, #tpu.memory_space<hbm>>, %arg3: memref<10112xf32, #tpu.memory_space<hbm>>, %arg4: memref<32x10112xf32, #tpu.memory_space<hbm>>, %arg5: memref<10112xi32, #tpu.memory_space<vmem>>, %arg6: memref<10112xf32, #tpu.memory_space<vmem>>) attributes {dimension_semantics = [#tpu.dimension_semantics<core_parallel>, #tpu.dimension_semantics<subcore_parallel>], iteration_bounds = array<i64: 2, 16>, scalar_prefetch = 0 : i64, scratch_operands = 2 : i64, tpu.core_type = #tpu.core_type<sc_vector_subcore>, window_params = [{transform_indices = #map}, {transform_indices = #map1}, {transform_indices = #map}]} {
    %mul3A = arith.constant 16 : i32
    %mul3A_0 = arith.muli %arg0, %mul3A : i32
    %add3A = arith.addi %mul3A_0, %arg1 : i32
    "tpu.region"() ({
      %run_scoped3A = tpu.sem_alloc : memref<!tpu.dma_semaphore, #tpu.memory_space<semaphore_mem>>
      tpu.enqueue_dma source(%arg3 : memref<10112xf32, #tpu.memory_space<hbm>>) target(%arg6 : memref<10112xf32, #tpu.memory_space<vmem>>) target_semaphore(%run_scoped3A : memref<!tpu.dma_semaphore, #tpu.memory_space<semaphore_mem>>)
      tpu.wait_dma2 semaphore(%run_scoped3A : memref<!tpu.dma_semaphore, #tpu.memory_space<semaphore_mem>>) src(%arg3 : memref<10112xf32, #tpu.memory_space<hbm>>) dst(%arg6 : memref<10112xf32, #tpu.memory_space<vmem>>)
      tpu.yield
    }) : () -> ()
    "tpu.region"() ({
      %run_scoped3A = tpu.sem_alloc : memref<!tpu.dma_semaphore, #tpu.memory_space<semaphore_mem>>
      %dma_start3A = arith.constant 0 : i32
      %dma_start3A_6 = tpu.memref_slice %arg2[%add3A, %dma_start3A] : memref<32x10112xi32, #tpu.memory_space<hbm>> -> memref<1x10112xi32, #tpu.memory_space<hbm>>
      %dma_start3A_7 = tpu.memref_squeeze %dma_start3A_6 : memref<1x10112xi32, #tpu.memory_space<hbm>> -> memref<10112xi32, #tpu.memory_space<hbm>>
      %dma_start3A_8 = arith.constant 0 : i32
      %dma_start3A_9 = tpu.memref_slice %arg2[%add3A, %dma_start3A_8] : memref<32x10112xi32, #tpu.memory_space<hbm>> -> memref<1x10112xi32, #tpu.memory_space<hbm>>
      %dma_start3A_10 = tpu.memref_squeeze %dma_start3A_9 : memref<1x10112xi32, #tpu.memory_space<hbm>> -> memref<10112xi32, #tpu.memory_space<hbm>>
      tpu.enqueue_dma source(%dma_start3A_10 : memref<10112xi32, #tpu.memory_space<hbm>>) target(%arg5 : memref<10112xi32, #tpu.memory_space<vmem>>) target_semaphore(%run_scoped3A : memref<!tpu.dma_semaphore, #tpu.memory_space<semaphore_mem>>)
      %dma_wait3A = arith.constant 0 : i32
      %dma_wait3A_11 = tpu.memref_slice %arg2[%add3A, %dma_wait3A] : memref<32x10112xi32, #tpu.memory_space<hbm>> -> memref<1x10112xi32, #tpu.memory_space<hbm>>
      %dma_wait3A_12 = tpu.memref_squeeze %dma_wait3A_11 : memref<1x10112xi32, #tpu.memory_space<hbm>> -> memref<10112xi32, #tpu.memory_space<hbm>>
      %dma_wait3A_13 = arith.constant 0 : i32
      %dma_wait3A_14 = tpu.memref_slice %arg2[%add3A, %dma_wait3A_13] : memref<32x10112xi32, #tpu.memory_space<hbm>> -> memref<1x10112xi32, #tpu.memory_space<hbm>>
      %dma_wait3A_15 = tpu.memref_squeeze %dma_wait3A_14 : memref<1x10112xi32, #tpu.memory_space<hbm>> -> memref<10112xi32, #tpu.memory_space<hbm>>
      tpu.wait_dma2 semaphore(%run_scoped3A : memref<!tpu.dma_semaphore, #tpu.memory_space<semaphore_mem>>) src(%dma_wait3A_15 : memref<10112xi32, #tpu.memory_space<hbm>>) dst(%arg5 : memref<10112xi32, #tpu.memory_space<vmem>>)
      tpu.yield
    }) : () -> ()
    %broadcast_in_dim3A = arith.constant 1.000000e+00 : f32
    %broadcast_in_dim3A_1 = vector.broadcast %broadcast_in_dim3A : f32 to vector<16xf32>
    %scan3A = arith.constant 0 : i32
    %scan3A_2 = arith.constant 632 : i32
    %scan3A_3 = arith.addi %scan3A, %scan3A_2 : i32
    %scan3A_4 = arith.constant 1 : i32
    scf.for %scan3A_6 = %scan3A to %scan3A_3 step %scan3A_4  : i32 {
      %mul3A_7 = arith.constant 1 : i32
      %mul3A_8 = arith.muli %scan3A_6, %mul3A_7 : i32
      %add3A_9 = arith.constant 0 : i32
      %add3A_10 = arith.addi %add3A_9, %mul3A_8 : i32
      %mul3A_11 = arith.constant 16 : i32
      %mul3A_12 = arith.muli %add3A_10, %mul3A_11 : i32
      %get3A = arith.index_cast %mul3A_12 : i32 to index
      %get3A_13 = tpu.vector_load %arg5[%get3A] {strides = array<i32>} : memref<10112xi32, #tpu.memory_space<vmem>>, vector<16xi32>,
      tpu.vector_store_idx %arg6[%get3A_13], %broadcast_in_dim3A_1 {add = true} : memref<10112xf32, #tpu.memory_space<vmem>>[vector<16xi32>], vector<16xf32>,
    }
    %scan3A_5 = arith.constant 632 : i32
    "tpu.region"() ({
      %run_scoped3A = tpu.sem_alloc : memref<!tpu.dma_semaphore, #tpu.memory_space<semaphore_mem>>
      %dma_start3A = arith.constant 0 : i32
      %dma_start3A_6 = tpu.memref_slice %arg4[%add3A, %dma_start3A] : memref<32x10112xf32, #tpu.memory_space<hbm>> -> memref<1x10112xf32, #tpu.memory_space<hbm>>
      %dma_start3A_7 = tpu.memref_squeeze %dma_start3A_6 : memref<1x10112xf32, #tpu.memory_space<hbm>> -> memref<10112xf32, #tpu.memory_space<hbm>>
      %dma_start3A_8 = arith.constant 0 : i32
      %dma_start3A_9 = tpu.memref_slice %arg4[%add3A, %dma_start3A_8] : memref<32x10112xf32, #tpu.memory_space<hbm>> -> memref<1x10112xf32, #tpu.memory_space<hbm>>
      %dma_start3A_10 = tpu.memref_squeeze %dma_start3A_9 : memref<1x10112xf32, #tpu.memory_space<hbm>> -> memref<10112xf32, #tpu.memory_space<hbm>>
      tpu.enqueue_dma source(%arg6 : memref<10112xf32, #tpu.memory_space<vmem>>) target(%dma_start3A_10 : memref<10112xf32, #tpu.memory_space<hbm>>) target_semaphore(%run_scoped3A : memref<!tpu.dma_semaphore, #tpu.memory_space<semaphore_mem>>)
      %dma_wait3A = arith.constant 0 : i32
      %dma_wait3A_11 = tpu.memref_slice %arg4[%add3A, %dma_wait3A] : memref<32x10112xf32, #tpu.memory_space<hbm>> -> memref<1x10112xf32, #tpu.memory_space<hbm>>
      %dma_wait3A_12 = tpu.memref_squeeze %dma_wait3A_11 : memref<1x10112xf32, #tpu.memory_space<hbm>> -> memref<10112xf32, #tpu.memory_space<hbm>>
      %dma_wait3A_13 = arith.constant 0 : i32
      %dma_wait3A_14 = tpu.memref_slice %arg4[%add3A, %dma_wait3A_13] : memref<32x10112xf32, #tpu.memory_space<hbm>> -> memref<1x10112xf32, #tpu.memory_space<hbm>>
      %dma_wait3A_15 = tpu.memref_squeeze %dma_wait3A_14 : memref<1x10112xf32, #tpu.memory_space<hbm>> -> memref<10112xf32, #tpu.memory_space<hbm>>
      tpu.wait_dma2 semaphore(%run_scoped3A : memref<!tpu.dma_semaphore, #tpu.memory_space<semaphore_mem>>) src(%arg6 : memref<10112xf32, #tpu.memory_space<vmem>>) dst(%dma_wait3A_15 : memref<10112xf32, #tpu.memory_space<hbm>>)
      tpu.yield
    }) : () -> ()
    return
  }
}

#map = affine_map<(d0, d1) -> (0, 0)>
#map1 = affine_map<(d0, d1) -> (0)>
module attributes {stable_mosaic.version = 14 : i64} {
  func.func @hist_kernel(%arg0: i32, %arg1: i32, %arg2: memref<32x10112xi32, #tpu.memory_space<hbm>>, %arg3: memref<10112xf32, #tpu.memory_space<hbm>>, %arg4: memref<32x10112xf32, #tpu.memory_space<hbm>>, %arg5: memref<10112xi32, #tpu.memory_space<vmem>>, %arg6: memref<10112xf32, #tpu.memory_space<vmem>>) attributes {dimension_semantics = [#tpu.dimension_semantics<core_parallel>, #tpu.dimension_semantics<subcore_parallel>], iteration_bounds = array<i64: 2, 16>, scalar_prefetch = 0 : i64, scratch_operands = 2 : i64, tpu.core_type = #tpu.core_type<sc_vector_subcore>, window_params = [{transform_indices = #map}, {transform_indices = #map1}, {transform_indices = #map}]} {
    %mul3A = arith.constant 16 : i32
    %mul3A_0 = arith.muli %arg0, %mul3A : i32
    %add3A = arith.addi %mul3A_0, %arg1 : i32
    "tpu.region"() ({
      %run_scoped3A = tpu.sem_alloc : memref<!tpu.dma_semaphore, #tpu.memory_space<semaphore_mem>>
      tpu.enqueue_dma source(%arg3 : memref<10112xf32, #tpu.memory_space<hbm>>) target(%arg6 : memref<10112xf32, #tpu.memory_space<vmem>>) target_semaphore(%run_scoped3A : memref<!tpu.dma_semaphore, #tpu.memory_space<semaphore_mem>>)
      tpu.wait_dma2 semaphore(%run_scoped3A : memref<!tpu.dma_semaphore, #tpu.memory_space<semaphore_mem>>) src(%arg3 : memref<10112xf32, #tpu.memory_space<hbm>>) dst(%arg6 : memref<10112xf32, #tpu.memory_space<vmem>>)
      tpu.yield
    }) : () -> ()
    "tpu.region"() ({
      %run_scoped3A = tpu.sem_alloc : memref<!tpu.dma_semaphore, #tpu.memory_space<semaphore_mem>>
      %dma_start3A = arith.constant 0 : i32
      %dma_start3A_6 = tpu.memref_slice %arg2[%add3A, %dma_start3A] : memref<32x10112xi32, #tpu.memory_space<hbm>> -> memref<1x10112xi32, #tpu.memory_space<hbm>>
      %dma_start3A_7 = tpu.memref_squeeze %dma_start3A_6 : memref<1x10112xi32, #tpu.memory_space<hbm>> -> memref<10112xi32, #tpu.memory_space<hbm>>
      %dma_start3A_8 = arith.constant 0 : i32
      %dma_start3A_9 = tpu.memref_slice %arg2[%add3A, %dma_start3A_8] : memref<32x10112xi32, #tpu.memory_space<hbm>> -> memref<1x10112xi32, #tpu.memory_space<hbm>>
      %dma_start3A_10 = tpu.memref_squeeze %dma_start3A_9 : memref<1x10112xi32, #tpu.memory_space<hbm>> -> memref<10112xi32, #tpu.memory_space<hbm>>
      tpu.enqueue_dma source(%dma_start3A_10 : memref<10112xi32, #tpu.memory_space<hbm>>) target(%arg5 : memref<10112xi32, #tpu.memory_space<vmem>>) target_semaphore(%run_scoped3A : memref<!tpu.dma_semaphore, #tpu.memory_space<semaphore_mem>>)
      %dma_wait3A = arith.constant 0 : i32
      %dma_wait3A_11 = tpu.memref_slice %arg2[%add3A, %dma_wait3A] : memref<32x10112xi32, #tpu.memory_space<hbm>> -> memref<1x10112xi32, #tpu.memory_space<hbm>>
      %dma_wait3A_12 = tpu.memref_squeeze %dma_wait3A_11 : memref<1x10112xi32, #tpu.memory_space<hbm>> -> memref<10112xi32, #tpu.memory_space<hbm>>
      %dma_wait3A_13 = arith.constant 0 : i32
      %dma_wait3A_14 = tpu.memref_slice %arg2[%add3A, %dma_wait3A_13] : memref<32x10112xi32, #tpu.memory_space<hbm>> -> memref<1x10112xi32, #tpu.memory_space<hbm>>
      %dma_wait3A_15 = tpu.memref_squeeze %dma_wait3A_14 : memref<1x10112xi32, #tpu.memory_space<hbm>> -> memref<10112xi32, #tpu.memory_space<hbm>>
      tpu.wait_dma2 semaphore(%run_scoped3A : memref<!tpu.dma_semaphore, #tpu.memory_space<semaphore_mem>>) src(%dma_wait3A_15 : memref<10112xi32, #tpu.memory_space<hbm>>) dst(%arg5 : memref<10112xi32, #tpu.memory_space<vmem>>)
      tpu.yield
    }) : () -> ()
    %broadcast_in_dim3A = arith.constant 1.000000e+00 : f32
    %broadcast_in_dim3A_1 = vector.broadcast %broadcast_in_dim3A : f32 to vector<16xf32>
    %scan3A = arith.constant 0 : i32
    %scan3A_2 = arith.constant 632 : i32
    %scan3A_3 = arith.addi %scan3A, %scan3A_2 : i32
    %scan3A_4 = arith.constant 1 : i32
    scf.for %scan3A_6 = %scan3A to %scan3A_3 step %scan3A_4  : i32 {
      %mul3A_7 = arith.constant 1 : i32
      %mul3A_8 = arith.muli %scan3A_6, %mul3A_7 : i32
      %add3A_9 = arith.constant 0 : i32
      %add3A_10 = arith.addi %add3A_9, %mul3A_8 : i32
      %mul3A_11 = arith.constant 16 : i32
      %mul3A_12 = arith.muli %add3A_10, %mul3A_11 : i32
      %get3A = arith.index_cast %mul3A_12 : i32 to index
      %get3A_13 = tpu.vector_load %arg5[%get3A] {strides = array<i32>} : memref<10112xi32, #tpu.memory_space<vmem>>, vector<16xi32>,
      tpu.vector_store_idx %arg6[%get3A_13], %broadcast_in_dim3A_1 {add = true} : memref<10112xf32, #tpu.memory_space<vmem>>[vector<16xi32>], vector<16xf32>,
    }
    %scan3A_5 = arith.constant 632 : i32
    "tpu.region"() ({
      %run_scoped3A = tpu.sem_alloc : memref<!tpu.dma_semaphore, #tpu.memory_space<semaphore_mem>>
      %dma_start3A = arith.constant 0 : i32
      %dma_start3A_6 = tpu.memref_slice %arg4[%add3A, %dma_start3A] : memref<32x10112xf32, #tpu.memory_space<hbm>> -> memref<1x10112xf32, #tpu.memory_space<hbm>>
      %dma_start3A_7 = tpu.memref_squeeze %dma_start3A_6 : memref<1x10112xf32, #tpu.memory_space<hbm>> -> memref<10112xf32, #tpu.memory_space<hbm>>
      %dma_start3A_8 = arith.constant 0 : i32
      %dma_start3A_9 = tpu.memref_slice %arg4[%add3A, %dma_start3A_8] : memref<32x10112xf32, #tpu.memory_space<hbm>> -> memref<1x10112xf32, #tpu.memory_space<hbm>>
      %dma_start3A_10 = tpu.memref_squeeze %dma_start3A_9 : memref<1x10112xf32, #tpu.memory_space<hbm>> -> memref<10112xf32, #tpu.memory_space<hbm>>
      tpu.enqueue_dma source(%arg6 : memref<10112xf32, #tpu.memory_space<vmem>>) target(%dma_start3A_10 : memref<10112xf32, #tpu.memory_space<hbm>>) target_semaphore(%run_scoped3A : memref<!tpu.dma_semaphore, #tpu.memory_space<semaphore_mem>>)
      %dma_wait3A = arith.constant 0 : i32
      %dma_wait3A_11 = tpu.memref_slice %arg4[%add3A, %dma_wait3A] : memref<32x10112xf32, #tpu.memory_space<hbm>> -> memref<1x10112xf32, #tpu.memory_space<hbm>>
      %dma_wait3A_12 = tpu.memref_squeeze %dma_wait3A_11 : memref<1x10112xf32, #tpu.memory_space<hbm>> -> memref<10112xf32, #tpu.memory_space<hbm>>
      %dma_wait3A_13 = arith.constant 0 : i32
      %dma_wait3A_14 = tpu.memref_slice %arg4[%add3A, %dma_wait3A_13] : memref<32x10112xf32, #tpu.memory_space<hbm>> -> memref<1x10112xf32, #tpu.memory_space<hbm>>
      %dma_wait3A_15 = tpu.memref_squeeze %dma_wait3A_14 : memref<1x10112xf32, #tpu.memory_space<hbm>> -> memref<10112xf32, #tpu.memory_space<hbm>>
      tpu.wait_dma2 semaphore(%run_scoped3A : memref<!tpu.dma_semaphore, #tpu.memory_space<semaphore_mem>>) src(%arg6 : memref<10112xf32, #tpu.memory_space<vmem>>) dst(%dma_wait3A_15 : memref<10112xf32, #tpu.memory_space<hbm>>)
      tpu.yield
    }) : () -> ()
    return
  }
}

#map = affine_map<(d0, d1) -> (0, 0)>
#map1 = affine_map<(d0, d1) -> (0, 0, 0)>
module attributes {stable_mosaic.version = 14 : i64} {
  func.func @scatter_kernel(%arg0: i32, %arg1: i32, %arg2: memref<10000x128xf32, #tpu.memory_space<hbm>>, %arg3: memref<32x79x128xi32, #tpu.memory_space<hbm>>, %arg4: memref<32x79x128xi32, #tpu.memory_space<hbm>>, %arg5: memref<632x128xf32, #tpu.memory_space<hbm>>, %arg6: memref<2x10112x128xf32, #tpu.memory_space<hbm>>, %arg7: memref<79x128xi32, #tpu.memory_space<vmem>>, %arg8: memref<79x128xi32, #tpu.memory_space<vmem>>, %arg9: memref<128x128xf32, #tpu.memory_space<vmem>>, %arg10: memref<10112x128xf32, #tpu.memory_space<vmem_shared>>, %arg11: memref<!tpu.dma_semaphore, #tpu.memory_space<semaphore_mem>>) attributes {dimension_semantics = [#tpu.dimension_semantics<core_parallel>, #tpu.dimension_semantics<subcore_parallel>], iteration_bounds = array<i64: 2, 16>, scalar_prefetch = 0 : i64, scratch_operands = 5 : i64, tpu.core_type = #tpu.core_type<sc_vector_subcore>, window_params = [{transform_indices = #map}, {transform_indices = #map1}, {transform_indices = #map1}, {transform_indices = #map}, {transform_indices = #map1}]} {
    %mul3A = arith.constant 16 : i32
    %mul3A_0 = arith.muli %arg0, %mul3A : i32
    %add3A = arith.addi %mul3A_0, %arg1 : i32
    %mul3A_1 = arith.constant 632 : i32
    %mul3A_2 = arith.muli %arg1, %mul3A_1 : i32
    "tpu.region"() ({
      %run_scoped3A = tpu.sem_alloc : memref<!tpu.dma_semaphore, #tpu.memory_space<semaphore_mem>>
      %dma_start3A = arith.constant 0 : i32
      %dma_start3A_8 = tpu.memref_slice %arg10[%mul3A_2, %dma_start3A] : memref<10112x128xf32, #tpu.memory_space<vmem_shared>> -> memref<632x128xf32, #tpu.memory_space<vmem_shared>>
      tpu.enqueue_dma source(%arg5 : memref<632x128xf32, #tpu.memory_space<hbm>>) target(%dma_start3A_8 : memref<632x128xf32, #tpu.memory_space<vmem_shared>>) target_semaphore(%run_scoped3A : memref<!tpu.dma_semaphore, #tpu.memory_space<semaphore_mem>>)
      %dma_wait3A = arith.constant 0 : i32
      %dma_wait3A_9 = tpu.memref_slice %arg10[%mul3A_2, %dma_wait3A] : memref<10112x128xf32, #tpu.memory_space<vmem_shared>> -> memref<632x128xf32, #tpu.memory_space<vmem_shared>>
      tpu.wait_dma2 semaphore(%run_scoped3A : memref<!tpu.dma_semaphore, #tpu.memory_space<semaphore_mem>>) src(%arg5 : memref<632x128xf32, #tpu.memory_space<hbm>>) dst(%dma_wait3A_9 : memref<632x128xf32, #tpu.memory_space<vmem_shared>>)
      tpu.yield
    }) : () -> ()
    "tpu.region"() ({
      %run_scoped3A = tpu.sem_alloc : memref<!tpu.dma_semaphore, #tpu.memory_space<semaphore_mem>>
      %dma_start3A = arith.constant 0 : i32
      %dma_start3A_8 = arith.constant 0 : i32
      %dma_start3A_9 = tpu.memref_slice %arg3[%add3A, %dma_start3A, %dma_start3A_8] : memref<32x79x128xi32, #tpu.memory_space<hbm>> -> memref<1x79x128xi32, #tpu.memory_space<hbm>>
      %dma_start3A_10 = tpu.memref_squeeze %dma_start3A_9 : memref<1x79x128xi32, #tpu.memory_space<hbm>> -> memref<79x128xi32, #tpu.memory_space<hbm>>
      %dma_start3A_11 = arith.constant 0 : i32
      %dma_start3A_12 = arith.constant 0 : i32
      %dma_start3A_13 = tpu.memref_slice %arg3[%add3A, %dma_start3A_11, %dma_start3A_12] : memref<32x79x128xi32, #tpu.memory_space<hbm>> -> memref<1x79x128xi32, #tpu.memory_space<hbm>>
      %dma_start3A_14 = tpu.memref_squeeze %dma_start3A_13 : memref<1x79x128xi32, #tpu.memory_space<hbm>> -> memref<79x128xi32, #tpu.memory_space<hbm>>
      tpu.enqueue_dma source(%dma_start3A_14 : memref<79x128xi32, #tpu.memory_space<hbm>>) target(%arg7 : memref<79x128xi32, #tpu.memory_space<vmem>>) target_semaphore(%run_scoped3A : memref<!tpu.dma_semaphore, #tpu.memory_space<semaphore_mem>>)
      %dma_wait3A = arith.constant 0 : i32
      %dma_wait3A_15 = arith.constant 0 : i32
      %dma_wait3A_16 = tpu.memref_slice %arg3[%add3A, %dma_wait3A, %dma_wait3A_15] : memref<32x79x128xi32, #tpu.memory_space<hbm>> -> memref<1x79x128xi32, #tpu.memory_space<hbm>>
      %dma_wait3A_17 = tpu.memref_squeeze %dma_wait3A_16 : memref<1x79x128xi32, #tpu.memory_space<hbm>> -> memref<79x128xi32, #tpu.memory_space<hbm>>
      %dma_wait3A_18 = arith.constant 0 : i32
      %dma_wait3A_19 = arith.constant 0 : i32
      %dma_wait3A_20 = tpu.memref_slice %arg3[%add3A, %dma_wait3A_18, %dma_wait3A_19] : memref<32x79x128xi32, #tpu.memory_space<hbm>> -> memref<1x79x128xi32, #tpu.memory_space<hbm>>
      %dma_wait3A_21 = tpu.memref_squeeze %dma_wait3A_20 : memref<1x79x128xi32, #tpu.memory_space<hbm>> -> memref<79x128xi32, #tpu.memory_space<hbm>>
      tpu.wait_dma2 semaphore(%run_scoped3A : memref<!tpu.dma_semaphore, #tpu.memory_space<semaphore_mem>>) src(%dma_wait3A_21 : memref<79x128xi32, #tpu.memory_space<hbm>>) dst(%arg7 : memref<79x128xi32, #tpu.memory_space<vmem>>)
      tpu.yield
    }) : () -> ()
    "tpu.region"() ({
      %run_scoped3A = tpu.sem_alloc : memref<!tpu.dma_semaphore, #tpu.memory_space<semaphore_mem>>
      %dma_start3A = arith.constant 0 : i32
      %dma_start3A_8 = arith.constant 0 : i32
      %dma_start3A_9 = tpu.memref_slice %arg4[%add3A, %dma_start3A, %dma_start3A_8] : memref<32x79x128xi32, #tpu.memory_space<hbm>> -> memref<1x79x128xi32, #tpu.memory_space<hbm>>
      %dma_start3A_10 = tpu.memref_squeeze %dma_start3A_9 : memref<1x79x128xi32, #tpu.memory_space<hbm>> -> memref<79x128xi32, #tpu.memory_space<hbm>>
      %dma_start3A_11 = arith.constant 0 : i32
      %dma_start3A_12 = arith.constant 0 : i32
      %dma_start3A_13 = tpu.memref_slice %arg4[%add3A, %dma_start3A_11, %dma_start3A_12] : memref<32x79x128xi32, #tpu.memory_space<hbm>> -> memref<1x79x128xi32, #tpu.memory_space<hbm>>
      %dma_start3A_14 = tpu.memref_squeeze %dma_start3A_13 : memref<1x79x128xi32, #tpu.memory_space<hbm>> -> memref<79x128xi32, #tpu.memory_space<hbm>>
      tpu.enqueue_dma source(%dma_start3A_14 : memref<79x128xi32, #tpu.memory_space<hbm>>) target(%arg8 : memref<79x128xi32, #tpu.memory_space<vmem>>) target_semaphore(%run_scoped3A : memref<!tpu.dma_semaphore, #tpu.memory_space<semaphore_mem>>)
      %dma_wait3A = arith.constant 0 : i32
      %dma_wait3A_15 = arith.constant 0 : i32
      %dma_wait3A_16 = tpu.memref_slice %arg4[%add3A, %dma_wait3A, %dma_wait3A_15] : memref<32x79x128xi32, #tpu.memory_space<hbm>> -> memref<1x79x128xi32, #tpu.memory_space<hbm>>
      %dma_wait3A_17 = tpu.memref_squeeze %dma_wait3A_16 : memref<1x79x128xi32, #tpu.memory_space<hbm>> -> memref<79x128xi32, #tpu.memory_space<hbm>>
      %dma_wait3A_18 = arith.constant 0 : i32
      %dma_wait3A_19 = arith.constant 0 : i32
      %dma_wait3A_20 = tpu.memref_slice %arg4[%add3A, %dma_wait3A_18, %dma_wait3A_19] : memref<32x79x128xi32, #tpu.memory_space<hbm>> -> memref<1x79x128xi32, #tpu.memory_space<hbm>>
      %dma_wait3A_21 = tpu.memref_squeeze %dma_wait3A_20 : memref<1x79x128xi32, #tpu.memory_space<hbm>> -> memref<79x128xi32, #tpu.memory_space<hbm>>
      tpu.wait_dma2 semaphore(%run_scoped3A : memref<!tpu.dma_semaphore, #tpu.memory_space<semaphore_mem>>) src(%dma_wait3A_21 : memref<79x128xi32, #tpu.memory_space<hbm>>) dst(%arg8 : memref<79x128xi32, #tpu.memory_space<vmem>>)
      tpu.yield
    }) : () -> ()
    %barrier3A = arith.constant 0 : index
    tpu.barrier barrier_id(%barrier3A)
    %scan3A = arith.constant 0 : i32
    %scan3A_3 = arith.constant 79 : i32
    %scan3A_4 = arith.addi %scan3A, %scan3A_3 : i32
    %scan3A_5 = arith.constant 1 : i32
    scf.for %scan3A_8 = %scan3A to %scan3A_4 step %scan3A_5  : i32 {
      %mul3A_9 = arith.constant 1 : i32
      %mul3A_10 = arith.muli %scan3A_8, %mul3A_9 : i32
      %add3A_11 = arith.constant 0 : i32
      %add3A_12 = arith.addi %add3A_11, %mul3A_10 : i32
      %dma_start3A = arith.constant 0 : i32
      %dma_start3A_13 = tpu.memref_slice %arg7[%add3A_12, %dma_start3A] : memref<79x128xi32, #tpu.memory_space<vmem>> -> memref<1x128xi32, #tpu.memory_space<vmem>>
      %dma_start3A_14 = tpu.memref_squeeze %dma_start3A_13 : memref<1x128xi32, #tpu.memory_space<vmem>> -> memref<128xi32, #tpu.memory_space<vmem>>
      %dma_start3A_15 = arith.constant 0 : i32
      %dma_start3A_16 = arith.constant 0 : i32
      %dma_start3A_17 = tpu.memref_slice %arg2[%dma_start3A_15, %dma_start3A_16] : memref<10000x128xf32, #tpu.memory_space<hbm>> -> memref<10000x128xf32, #tpu.memory_space<hbm>>
      tpu.enqueue_indirect_dma source(%dma_start3A_17 : memref<10000x128xf32, #tpu.memory_space<hbm>>) target(%arg9 : memref<128x128xf32, #tpu.memory_space<vmem>>) offsets(%dma_start3A_14 : memref<128xi32, #tpu.memory_space<vmem>>) semaphore(%arg11 : memref<!tpu.dma_semaphore, #tpu.memory_space<semaphore_mem>>)
      %dma_wait3A = arith.constant 0 : i32
      %dma_wait3A_18 = tpu.memref_slice %arg7[%add3A_12, %dma_wait3A] : memref<79x128xi32, #tpu.memory_space<vmem>> -> memref<1x128xi32, #tpu.memory_space<vmem>>
      %dma_wait3A_19 = tpu.memref_squeeze %dma_wait3A_18 : memref<1x128xi32, #tpu.memory_space<vmem>> -> memref<128xi32, #tpu.memory_space<vmem>>
      %dma_wait3A_20 = arith.constant 0 : i32
      %dma_wait3A_21 = arith.constant 0 : i32
      %dma_wait3A_22 = tpu.memref_slice %arg2[%dma_wait3A_20, %dma_wait3A_21] : memref<10000x128xf32, #tpu.memory_space<hbm>> -> memref<10000x128xf32, #tpu.memory_space<hbm>>
      tpu.wait_indirect_dma semaphore(%arg11 : memref<!tpu.dma_semaphore, #tpu.memory_space<semaphore_mem>>) src(%dma_wait3A_22 : memref<10000x128xf32, #tpu.memory_space<hbm>>) dst(%arg9 : memref<128x128xf32, #tpu.memory_space<vmem>>)
      "tpu.region"() ({
        %run_scoped3A = tpu.sem_alloc : memref<!tpu.dma_semaphore, #tpu.memory_space<semaphore_mem>>
        %dma_start3A_23 = arith.constant 0 : i32
        %dma_start3A_24 = tpu.memref_slice %arg8[%add3A_12, %dma_start3A_23] : memref<79x128xi32, #tpu.memory_space<vmem>> -> memref<1x128xi32, #tpu.memory_space<vmem>>
        %dma_start3A_25 = tpu.memref_squeeze %dma_start3A_24 : memref<1x128xi32, #tpu.memory_space<vmem>> -> memref<128xi32, #tpu.memory_space<vmem>>
        %dma_start3A_26 = arith.constant 0 : i32
        %dma_start3A_27 = arith.constant 0 : i32
        %dma_start3A_28 = tpu.memref_slice %arg10[%dma_start3A_26, %dma_start3A_27] : memref<10112x128xf32, #tpu.memory_space<vmem_shared>> -> memref<10112x128xf32, #tpu.memory_space<vmem_shared>>
        tpu.enqueue_indirect_dma source(%arg9 : memref<128x128xf32, #tpu.memory_space<vmem>>) target(%dma_start3A_28 : memref<10112x128xf32, #tpu.memory_space<vmem_shared>>) offsets(%dma_start3A_25 : memref<128xi32, #tpu.memory_space<vmem>>) semaphore(%run_scoped3A : memref<!tpu.dma_semaphore, #tpu.memory_space<semaphore_mem>>) {add = true}
        %dma_wait3A_29 = arith.constant 0 : i32
        %dma_wait3A_30 = tpu.memref_slice %arg8[%add3A_12, %dma_wait3A_29] : memref<79x128xi32, #tpu.memory_space<vmem>> -> memref<1x128xi32, #tpu.memory_space<vmem>>
        %dma_wait3A_31 = tpu.memref_squeeze %dma_wait3A_30 : memref<1x128xi32, #tpu.memory_space<vmem>> -> memref<128xi32, #tpu.memory_space<vmem>>
        %dma_wait3A_32 = arith.constant 0 : i32
        %dma_wait3A_33 = arith.constant 0 : i32
        %dma_wait3A_34 = tpu.memref_slice %arg10[%dma_wait3A_32, %dma_wait3A_33] : memref<10112x128xf32, #tpu.memory_space<vmem_shared>> -> memref<10112x128xf32, #tpu.memory_space<vmem_shared>>
        tpu.wait_indirect_dma semaphore(%run_scoped3A : memref<!tpu.dma_semaphore, #tpu.memory_space<semaphore_mem>>) src(%arg9 : memref<128x128xf32, #tpu.memory_space<vmem>>) dst(%dma_wait3A_34 : memref<10112x128xf32, #tpu.memory_space<vmem_shared>>)
        tpu.yield
      }) : () -> ()
    }
    %scan3A_6 = arith.constant 79 : i32
    %barrier3A_7 = arith.constant 0 : index
    tpu.barrier barrier_id(%barrier3A_7)
    "tpu.region"() ({
      %run_scoped3A = tpu.sem_alloc : memref<!tpu.dma_semaphore, #tpu.memory_space<semaphore_mem>>
      %dma_start3A = arith.constant 0 : i32
      %dma_start3A_8 = arith.constant 0 : i32
      %dma_start3A_9 = tpu.memref_slice %arg6[%arg0, %dma_start3A, %dma_start3A_8] : memref<2x10112x128xf32, #tpu.memory_space<hbm>> -> memref<1x10112x128xf32, #tpu.memory_space<hbm>>
      %dma_start3A_10 = tpu.memref_squeeze %dma_start3A_9 : memref<1x10112x128xf32, #tpu.memory_space<hbm>> -> memref<10112x128xf32, #tpu.memory_space<hbm>>
      %dma_start3A_11 = arith.constant 0 : i32
      %dma_start3A_12 = tpu.memref_slice %dma_start3A_10[%mul3A_2, %dma_start3A_11] : memref<10112x128xf32, #tpu.memory_space<hbm>> -> memref<632x128xf32, #tpu.memory_space<hbm>>
      %dma_start3A_13 = arith.constant 0 : i32
      %dma_start3A_14 = tpu.memref_slice %arg10[%mul3A_2, %dma_start3A_13] : memref<10112x128xf32, #tpu.memory_space<vmem_shared>> -> memref<632x128xf32, #tpu.memory_space<vmem_shared>>
      tpu.enqueue_dma source(%dma_start3A_14 : memref<632x128xf32, #tpu.memory_space<vmem_shared>>) target(%dma_start3A_12 : memref<632x128xf32, #tpu.memory_space<hbm>>) target_semaphore(%run_scoped3A : memref<!tpu.dma_semaphore, #tpu.memory_space<semaphore_mem>>)
      %dma_wait3A = arith.constant 0 : i32
      %dma_wait3A_15 = arith.constant 0 : i32
      %dma_wait3A_16 = tpu.memref_slice %arg6[%arg0, %dma_wait3A, %dma_wait3A_15] : memref<2x10112x128xf32, #tpu.memory_space<hbm>> -> memref<1x10112x128xf32, #tpu.memory_space<hbm>>
      %dma_wait3A_17 = tpu.memref_squeeze %dma_wait3A_16 : memref<1x10112x128xf32, #tpu.memory_space<hbm>> -> memref<10112x128xf32, #tpu.memory_space<hbm>>
      %dma_wait3A_18 = arith.constant 0 : i32
      %dma_wait3A_19 = tpu.memref_slice %dma_wait3A_17[%mul3A_2, %dma_wait3A_18] : memref<10112x128xf32, #tpu.memory_space<hbm>> -> memref<632x128xf32, #tpu.memory_space<hbm>>
      %dma_wait3A_20 = arith.constant 0 : i32
      %dma_wait3A_21 = tpu.memref_slice %arg10[%mul3A_2, %dma_wait3A_20] : memref<10112x128xf32, #tpu.memory_space<vmem_shared>> -> memref<632x128xf32, #tpu.memory_space<vmem_shared>>
      tpu.wait_dma2 semaphore(%run_scoped3A : memref<!tpu.dma_semaphore, #tpu.memory_space<semaphore_mem>>) src(%dma_wait3A_21 : memref<632x128xf32, #tpu.memory_space<vmem_shared>>) dst(%dma_wait3A_19 : memref<632x128xf32, #tpu.memory_space<hbm>>)
      tpu.yield
    }) : () -> ()
    return
  }
}

#map = affine_map<(d0, d1) -> (0, 0)>
#map1 = affine_map<(d0, d1) -> (0, 0, 0)>
module attributes {stable_mosaic.version = 14 : i64} {
  func.func @scatter_kernel(%arg0: i32, %arg1: i32, %arg2: memref<10000x128xf32, #tpu.memory_space<hbm>>, %arg3: memref<32x79x128xi32, #tpu.memory_space<hbm>>, %arg4: memref<32x79x128xi32, #tpu.memory_space<hbm>>, %arg5: memref<632x128xf32, #tpu.memory_space<hbm>>, %arg6: memref<2x10112x128xf32, #tpu.memory_space<hbm>>, %arg7: memref<79x128xi32, #tpu.memory_space<vmem>>, %arg8: memref<79x128xi32, #tpu.memory_space<vmem>>, %arg9: memref<128x128xf32, #tpu.memory_space<vmem>>, %arg10: memref<10112x128xf32, #tpu.memory_space<vmem_shared>>, %arg11: memref<!tpu.dma_semaphore, #tpu.memory_space<semaphore_mem>>) attributes {dimension_semantics = [#tpu.dimension_semantics<core_parallel>, #tpu.dimension_semantics<subcore_parallel>], iteration_bounds = array<i64: 2, 16>, scalar_prefetch = 0 : i64, scratch_operands = 5 : i64, tpu.core_type = #tpu.core_type<sc_vector_subcore>, window_params = [{transform_indices = #map}, {transform_indices = #map1}, {transform_indices = #map1}, {transform_indices = #map}, {transform_indices = #map1}]} {
    %mul3A = arith.constant 16 : i32
    %mul3A_0 = arith.muli %arg0, %mul3A : i32
    %add3A = arith.addi %mul3A_0, %arg1 : i32
    %mul3A_1 = arith.constant 632 : i32
    %mul3A_2 = arith.muli %arg1, %mul3A_1 : i32
    "tpu.region"() ({
      %run_scoped3A = tpu.sem_alloc : memref<!tpu.dma_semaphore, #tpu.memory_space<semaphore_mem>>
      %dma_start3A = arith.constant 0 : i32
      %dma_start3A_8 = tpu.memref_slice %arg10[%mul3A_2, %dma_start3A] : memref<10112x128xf32, #tpu.memory_space<vmem_shared>> -> memref<632x128xf32, #tpu.memory_space<vmem_shared>>
      tpu.enqueue_dma source(%arg5 : memref<632x128xf32, #tpu.memory_space<hbm>>) target(%dma_start3A_8 : memref<632x128xf32, #tpu.memory_space<vmem_shared>>) target_semaphore(%run_scoped3A : memref<!tpu.dma_semaphore, #tpu.memory_space<semaphore_mem>>)
      %dma_wait3A = arith.constant 0 : i32
      %dma_wait3A_9 = tpu.memref_slice %arg10[%mul3A_2, %dma_wait3A] : memref<10112x128xf32, #tpu.memory_space<vmem_shared>> -> memref<632x128xf32, #tpu.memory_space<vmem_shared>>
      tpu.wait_dma2 semaphore(%run_scoped3A : memref<!tpu.dma_semaphore, #tpu.memory_space<semaphore_mem>>) src(%arg5 : memref<632x128xf32, #tpu.memory_space<hbm>>) dst(%dma_wait3A_9 : memref<632x128xf32, #tpu.memory_space<vmem_shared>>)
      tpu.yield
    }) : () -> ()
    "tpu.region"() ({
      %run_scoped3A = tpu.sem_alloc : memref<!tpu.dma_semaphore, #tpu.memory_space<semaphore_mem>>
      %dma_start3A = arith.constant 0 : i32
      %dma_start3A_8 = arith.constant 0 : i32
      %dma_start3A_9 = tpu.memref_slice %arg3[%add3A, %dma_start3A, %dma_start3A_8] : memref<32x79x128xi32, #tpu.memory_space<hbm>> -> memref<1x79x128xi32, #tpu.memory_space<hbm>>
      %dma_start3A_10 = tpu.memref_squeeze %dma_start3A_9 : memref<1x79x128xi32, #tpu.memory_space<hbm>> -> memref<79x128xi32, #tpu.memory_space<hbm>>
      %dma_start3A_11 = arith.constant 0 : i32
      %dma_start3A_12 = arith.constant 0 : i32
      %dma_start3A_13 = tpu.memref_slice %arg3[%add3A, %dma_start3A_11, %dma_start3A_12] : memref<32x79x128xi32, #tpu.memory_space<hbm>> -> memref<1x79x128xi32, #tpu.memory_space<hbm>>
      %dma_start3A_14 = tpu.memref_squeeze %dma_start3A_13 : memref<1x79x128xi32, #tpu.memory_space<hbm>> -> memref<79x128xi32, #tpu.memory_space<hbm>>
      tpu.enqueue_dma source(%dma_start3A_14 : memref<79x128xi32, #tpu.memory_space<hbm>>) target(%arg7 : memref<79x128xi32, #tpu.memory_space<vmem>>) target_semaphore(%run_scoped3A : memref<!tpu.dma_semaphore, #tpu.memory_space<semaphore_mem>>)
      %dma_wait3A = arith.constant 0 : i32
      %dma_wait3A_15 = arith.constant 0 : i32
      %dma_wait3A_16 = tpu.memref_slice %arg3[%add3A, %dma_wait3A, %dma_wait3A_15] : memref<32x79x128xi32, #tpu.memory_space<hbm>> -> memref<1x79x128xi32, #tpu.memory_space<hbm>>
      %dma_wait3A_17 = tpu.memref_squeeze %dma_wait3A_16 : memref<1x79x128xi32, #tpu.memory_space<hbm>> -> memref<79x128xi32, #tpu.memory_space<hbm>>
      %dma_wait3A_18 = arith.constant 0 : i32
      %dma_wait3A_19 = arith.constant 0 : i32
      %dma_wait3A_20 = tpu.memref_slice %arg3[%add3A, %dma_wait3A_18, %dma_wait3A_19] : memref<32x79x128xi32, #tpu.memory_space<hbm>> -> memref<1x79x128xi32, #tpu.memory_space<hbm>>
      %dma_wait3A_21 = tpu.memref_squeeze %dma_wait3A_20 : memref<1x79x128xi32, #tpu.memory_space<hbm>> -> memref<79x128xi32, #tpu.memory_space<hbm>>
      tpu.wait_dma2 semaphore(%run_scoped3A : memref<!tpu.dma_semaphore, #tpu.memory_space<semaphore_mem>>) src(%dma_wait3A_21 : memref<79x128xi32, #tpu.memory_space<hbm>>) dst(%arg7 : memref<79x128xi32, #tpu.memory_space<vmem>>)
      tpu.yield
    }) : () -> ()
    "tpu.region"() ({
      %run_scoped3A = tpu.sem_alloc : memref<!tpu.dma_semaphore, #tpu.memory_space<semaphore_mem>>
      %dma_start3A = arith.constant 0 : i32
      %dma_start3A_8 = arith.constant 0 : i32
      %dma_start3A_9 = tpu.memref_slice %arg4[%add3A, %dma_start3A, %dma_start3A_8] : memref<32x79x128xi32, #tpu.memory_space<hbm>> -> memref<1x79x128xi32, #tpu.memory_space<hbm>>
      %dma_start3A_10 = tpu.memref_squeeze %dma_start3A_9 : memref<1x79x128xi32, #tpu.memory_space<hbm>> -> memref<79x128xi32, #tpu.memory_space<hbm>>
      %dma_start3A_11 = arith.constant 0 : i32
      %dma_start3A_12 = arith.constant 0 : i32
      %dma_start3A_13 = tpu.memref_slice %arg4[%add3A, %dma_start3A_11, %dma_start3A_12] : memref<32x79x128xi32, #tpu.memory_space<hbm>> -> memref<1x79x128xi32, #tpu.memory_space<hbm>>
      %dma_start3A_14 = tpu.memref_squeeze %dma_start3A_13 : memref<1x79x128xi32, #tpu.memory_space<hbm>> -> memref<79x128xi32, #tpu.memory_space<hbm>>
      tpu.enqueue_dma source(%dma_start3A_14 : memref<79x128xi32, #tpu.memory_space<hbm>>) target(%arg8 : memref<79x128xi32, #tpu.memory_space<vmem>>) target_semaphore(%run_scoped3A : memref<!tpu.dma_semaphore, #tpu.memory_space<semaphore_mem>>)
      %dma_wait3A = arith.constant 0 : i32
      %dma_wait3A_15 = arith.constant 0 : i32
      %dma_wait3A_16 = tpu.memref_slice %arg4[%add3A, %dma_wait3A, %dma_wait3A_15] : memref<32x79x128xi32, #tpu.memory_space<hbm>> -> memref<1x79x128xi32, #tpu.memory_space<hbm>>
      %dma_wait3A_17 = tpu.memref_squeeze %dma_wait3A_16 : memref<1x79x128xi32, #tpu.memory_space<hbm>> -> memref<79x128xi32, #tpu.memory_space<hbm>>
      %dma_wait3A_18 = arith.constant 0 : i32
      %dma_wait3A_19 = arith.constant 0 : i32
      %dma_wait3A_20 = tpu.memref_slice %arg4[%add3A, %dma_wait3A_18, %dma_wait3A_19] : memref<32x79x128xi32, #tpu.memory_space<hbm>> -> memref<1x79x128xi32, #tpu.memory_space<hbm>>
      %dma_wait3A_21 = tpu.memref_squeeze %dma_wait3A_20 : memref<1x79x128xi32, #tpu.memory_space<hbm>> -> memref<79x128xi32, #tpu.memory_space<hbm>>
      tpu.wait_dma2 semaphore(%run_scoped3A : memref<!tpu.dma_semaphore, #tpu.memory_space<semaphore_mem>>) src(%dma_wait3A_21 : memref<79x128xi32, #tpu.memory_space<hbm>>) dst(%arg8 : memref<79x128xi32, #tpu.memory_space<vmem>>)
      tpu.yield
    }) : () -> ()
    %barrier3A = arith.constant 0 : index
    tpu.barrier barrier_id(%barrier3A)
    %scan3A = arith.constant 0 : i32
    %scan3A_3 = arith.constant 79 : i32
    %scan3A_4 = arith.addi %scan3A, %scan3A_3 : i32
    %scan3A_5 = arith.constant 1 : i32
    scf.for %scan3A_8 = %scan3A to %scan3A_4 step %scan3A_5  : i32 {
      %mul3A_9 = arith.constant 1 : i32
      %mul3A_10 = arith.muli %scan3A_8, %mul3A_9 : i32
      %add3A_11 = arith.constant 0 : i32
      %add3A_12 = arith.addi %add3A_11, %mul3A_10 : i32
      %dma_start3A = arith.constant 0 : i32
      %dma_start3A_13 = tpu.memref_slice %arg7[%add3A_12, %dma_start3A] : memref<79x128xi32, #tpu.memory_space<vmem>> -> memref<1x128xi32, #tpu.memory_space<vmem>>
      %dma_start3A_14 = tpu.memref_squeeze %dma_start3A_13 : memref<1x128xi32, #tpu.memory_space<vmem>> -> memref<128xi32, #tpu.memory_space<vmem>>
      %dma_start3A_15 = arith.constant 0 : i32
      %dma_start3A_16 = arith.constant 0 : i32
      %dma_start3A_17 = tpu.memref_slice %arg2[%dma_start3A_15, %dma_start3A_16] : memref<10000x128xf32, #tpu.memory_space<hbm>> -> memref<10000x128xf32, #tpu.memory_space<hbm>>
      tpu.enqueue_indirect_dma source(%dma_start3A_17 : memref<10000x128xf32, #tpu.memory_space<hbm>>) target(%arg9 : memref<128x128xf32, #tpu.memory_space<vmem>>) offsets(%dma_start3A_14 : memref<128xi32, #tpu.memory_space<vmem>>) semaphore(%arg11 : memref<!tpu.dma_semaphore, #tpu.memory_space<semaphore_mem>>)
      %dma_wait3A = arith.constant 0 : i32
      %dma_wait3A_18 = tpu.memref_slice %arg7[%add3A_12, %dma_wait3A] : memref<79x128xi32, #tpu.memory_space<vmem>> -> memref<1x128xi32, #tpu.memory_space<vmem>>
      %dma_wait3A_19 = tpu.memref_squeeze %dma_wait3A_18 : memref<1x128xi32, #tpu.memory_space<vmem>> -> memref<128xi32, #tpu.memory_space<vmem>>
      %dma_wait3A_20 = arith.constant 0 : i32
      %dma_wait3A_21 = arith.constant 0 : i32
      %dma_wait3A_22 = tpu.memref_slice %arg2[%dma_wait3A_20, %dma_wait3A_21] : memref<10000x128xf32, #tpu.memory_space<hbm>> -> memref<10000x128xf32, #tpu.memory_space<hbm>>
      tpu.wait_indirect_dma semaphore(%arg11 : memref<!tpu.dma_semaphore, #tpu.memory_space<semaphore_mem>>) src(%dma_wait3A_22 : memref<10000x128xf32, #tpu.memory_space<hbm>>) dst(%arg9 : memref<128x128xf32, #tpu.memory_space<vmem>>)
      "tpu.region"() ({
        %run_scoped3A = tpu.sem_alloc : memref<!tpu.dma_semaphore, #tpu.memory_space<semaphore_mem>>
        %dma_start3A_23 = arith.constant 0 : i32
        %dma_start3A_24 = tpu.memref_slice %arg8[%add3A_12, %dma_start3A_23] : memref<79x128xi32, #tpu.memory_space<vmem>> -> memref<1x128xi32, #tpu.memory_space<vmem>>
        %dma_start3A_25 = tpu.memref_squeeze %dma_start3A_24 : memref<1x128xi32, #tpu.memory_space<vmem>> -> memref<128xi32, #tpu.memory_space<vmem>>
        %dma_start3A_26 = arith.constant 0 : i32
        %dma_start3A_27 = arith.constant 0 : i32
        %dma_start3A_28 = tpu.memref_slice %arg10[%dma_start3A_26, %dma_start3A_27] : memref<10112x128xf32, #tpu.memory_space<vmem_shared>> -> memref<10112x128xf32, #tpu.memory_space<vmem_shared>>
        tpu.enqueue_indirect_dma source(%arg9 : memref<128x128xf32, #tpu.memory_space<vmem>>) target(%dma_start3A_28 : memref<10112x128xf32, #tpu.memory_space<vmem_shared>>) offsets(%dma_start3A_25 : memref<128xi32, #tpu.memory_space<vmem>>) semaphore(%run_scoped3A : memref<!tpu.dma_semaphore, #tpu.memory_space<semaphore_mem>>) {add = true}
        %dma_wait3A_29 = arith.constant 0 : i32
        %dma_wait3A_30 = tpu.memref_slice %arg8[%add3A_12, %dma_wait3A_29] : memref<79x128xi32, #tpu.memory_space<vmem>> -> memref<1x128xi32, #tpu.memory_space<vmem>>
        %dma_wait3A_31 = tpu.memref_squeeze %dma_wait3A_30 : memref<1x128xi32, #tpu.memory_space<vmem>> -> memref<128xi32, #tpu.memory_space<vmem>>
        %dma_wait3A_32 = arith.constant 0 : i32
        %dma_wait3A_33 = arith.constant 0 : i32
        %dma_wait3A_34 = tpu.memref_slice %arg10[%dma_wait3A_32, %dma_wait3A_33] : memref<10112x128xf32, #tpu.memory_space<vmem_shared>> -> memref<10112x128xf32, #tpu.memory_space<vmem_shared>>
        tpu.wait_indirect_dma semaphore(%run_scoped3A : memref<!tpu.dma_semaphore, #tpu.memory_space<semaphore_mem>>) src(%arg9 : memref<128x128xf32, #tpu.memory_space<vmem>>) dst(%dma_wait3A_34 : memref<10112x128xf32, #tpu.memory_space<vmem_shared>>)
        tpu.yield
      }) : () -> ()
    }
    %scan3A_6 = arith.constant 79 : i32
    %barrier3A_7 = arith.constant 0 : index
    tpu.barrier barrier_id(%barrier3A_7)
    "tpu.region"() ({
      %run_scoped3A = tpu.sem_alloc : memref<!tpu.dma_semaphore, #tpu.memory_space<semaphore_mem>>
      %dma_start3A = arith.constant 0 : i32
      %dma_start3A_8 = arith.constant 0 : i32
      %dma_start3A_9 = tpu.memref_slice %arg6[%arg0, %dma_start3A, %dma_start3A_8] : memref<2x10112x128xf32, #tpu.memory_space<hbm>> -> memref<1x10112x128xf32, #tpu.memory_space<hbm>>
      %dma_start3A_10 = tpu.memref_squeeze %dma_start3A_9 : memref<1x10112x128xf32, #tpu.memory_space<hbm>> -> memref<10112x128xf32, #tpu.memory_space<hbm>>
      %dma_start3A_11 = arith.constant 0 : i32
      %dma_start3A_12 = tpu.memref_slice %dma_start3A_10[%mul3A_2, %dma_start3A_11] : memref<10112x128xf32, #tpu.memory_space<hbm>> -> memref<632x128xf32, #tpu.memory_space<hbm>>
      %dma_start3A_13 = arith.constant 0 : i32
      %dma_start3A_14 = tpu.memref_slice %arg10[%mul3A_2, %dma_start3A_13] : memref<10112x128xf32, #tpu.memory_space<vmem_shared>> -> memref<632x128xf32, #tpu.memory_space<vmem_shared>>
      tpu.enqueue_dma source(%dma_start3A_14 : memref<632x128xf32, #tpu.memory_space<vmem_shared>>) target(%dma_start3A_12 : memref<632x128xf32, #tpu.memory_space<hbm>>) target_semaphore(%run_scoped3A : memref<!tpu.dma_semaphore, #tpu.memory_space<semaphore_mem>>)
      %dma_wait3A = arith.constant 0 : i32
      %dma_wait3A_15 = arith.constant 0 : i32
      %dma_wait3A_16 = tpu.memref_slice %arg6[%arg0, %dma_wait3A, %dma_wait3A_15] : memref<2x10112x128xf32, #tpu.memory_space<hbm>> -> memref<1x10112x128xf32, #tpu.memory_space<hbm>>
      %dma_wait3A_17 = tpu.memref_squeeze %dma_wait3A_16 : memref<1x10112x128xf32, #tpu.memory_space<hbm>> -> memref<10112x128xf32, #tpu.memory_space<hbm>>
      %dma_wait3A_18 = arith.constant 0 : i32
      %dma_wait3A_19 = tpu.memref_slice %dma_wait3A_17[%mul3A_2, %dma_wait3A_18] : memref<10112x128xf32, #tpu.memory_space<hbm>> -> memref<632x128xf32, #tpu.memory_space<hbm>>
      %dma_wait3A_20 = arith.constant 0 : i32
      %dma_wait3A_21 = tpu.memref_slice %arg10[%mul3A_2, %dma_wait3A_20] : memref<10112x128xf32, #tpu.memory_space<vmem_shared>> -> memref<632x128xf32, #tpu.memory_space<vmem_shared>>
      tpu.wait_dma2 semaphore(%run_scoped3A : memref<!tpu.dma_semaphore, #tpu.memory_space<semaphore_mem>>) src(%dma_wait3A_21 : memref<632x128xf32, #tpu.memory_space<vmem_shared>>) dst(%dma_wait3A_19 : memref<632x128xf32, #tpu.memory_space<hbm>>)
      tpu.yield
    }) : () -> ()
    return
  }
}

#map = affine_map<(d0, d1) -> (0, 0)>
#map1 = affine_map<(d0, d1) -> (0, 0, 0)>
module attributes {stable_mosaic.version = 14 : i64} {
  func.func @scatter_kernel(%arg0: i32, %arg1: i32, %arg2: memref<10000x128xf32, #tpu.memory_space<hbm>>, %arg3: memref<32x79x128xi32, #tpu.memory_space<hbm>>, %arg4: memref<32x79x128xi32, #tpu.memory_space<hbm>>, %arg5: memref<632x128xf32, #tpu.memory_space<hbm>>, %arg6: memref<2x10112x128xf32, #tpu.memory_space<hbm>>, %arg7: memref<79x128xi32, #tpu.memory_space<vmem>>, %arg8: memref<79x128xi32, #tpu.memory_space<vmem>>, %arg9: memref<128x128xf32, #tpu.memory_space<vmem>>, %arg10: memref<10112x128xf32, #tpu.memory_space<vmem_shared>>, %arg11: memref<!tpu.dma_semaphore, #tpu.memory_space<semaphore_mem>>) attributes {dimension_semantics = [#tpu.dimension_semantics<core_parallel>, #tpu.dimension_semantics<subcore_parallel>], iteration_bounds = array<i64: 2, 16>, scalar_prefetch = 0 : i64, scratch_operands = 5 : i64, tpu.core_type = #tpu.core_type<sc_vector_subcore>, window_params = [{transform_indices = #map}, {transform_indices = #map1}, {transform_indices = #map1}, {transform_indices = #map}, {transform_indices = #map1}]} {
    %mul3A = arith.constant 16 : i32
    %mul3A_0 = arith.muli %arg0, %mul3A : i32
    %add3A = arith.addi %mul3A_0, %arg1 : i32
    %mul3A_1 = arith.constant 632 : i32
    %mul3A_2 = arith.muli %arg1, %mul3A_1 : i32
    "tpu.region"() ({
      %run_scoped3A = tpu.sem_alloc : memref<!tpu.dma_semaphore, #tpu.memory_space<semaphore_mem>>
      %dma_start3A = arith.constant 0 : i32
      %dma_start3A_8 = tpu.memref_slice %arg10[%mul3A_2, %dma_start3A] : memref<10112x128xf32, #tpu.memory_space<vmem_shared>> -> memref<632x128xf32, #tpu.memory_space<vmem_shared>>
      tpu.enqueue_dma source(%arg5 : memref<632x128xf32, #tpu.memory_space<hbm>>) target(%dma_start3A_8 : memref<632x128xf32, #tpu.memory_space<vmem_shared>>) target_semaphore(%run_scoped3A : memref<!tpu.dma_semaphore, #tpu.memory_space<semaphore_mem>>)
      %dma_wait3A = arith.constant 0 : i32
      %dma_wait3A_9 = tpu.memref_slice %arg10[%mul3A_2, %dma_wait3A] : memref<10112x128xf32, #tpu.memory_space<vmem_shared>> -> memref<632x128xf32, #tpu.memory_space<vmem_shared>>
      tpu.wait_dma2 semaphore(%run_scoped3A : memref<!tpu.dma_semaphore, #tpu.memory_space<semaphore_mem>>) src(%arg5 : memref<632x128xf32, #tpu.memory_space<hbm>>) dst(%dma_wait3A_9 : memref<632x128xf32, #tpu.memory_space<vmem_shared>>)
      tpu.yield
    }) : () -> ()
    "tpu.region"() ({
      %run_scoped3A = tpu.sem_alloc : memref<!tpu.dma_semaphore, #tpu.memory_space<semaphore_mem>>
      %dma_start3A = arith.constant 0 : i32
      %dma_start3A_8 = arith.constant 0 : i32
      %dma_start3A_9 = tpu.memref_slice %arg3[%add3A, %dma_start3A, %dma_start3A_8] : memref<32x79x128xi32, #tpu.memory_space<hbm>> -> memref<1x79x128xi32, #tpu.memory_space<hbm>>
      %dma_start3A_10 = tpu.memref_squeeze %dma_start3A_9 : memref<1x79x128xi32, #tpu.memory_space<hbm>> -> memref<79x128xi32, #tpu.memory_space<hbm>>
      %dma_start3A_11 = arith.constant 0 : i32
      %dma_start3A_12 = arith.constant 0 : i32
      %dma_start3A_13 = tpu.memref_slice %arg3[%add3A, %dma_start3A_11, %dma_start3A_12] : memref<32x79x128xi32, #tpu.memory_space<hbm>> -> memref<1x79x128xi32, #tpu.memory_space<hbm>>
      %dma_start3A_14 = tpu.memref_squeeze %dma_start3A_13 : memref<1x79x128xi32, #tpu.memory_space<hbm>> -> memref<79x128xi32, #tpu.memory_space<hbm>>
      tpu.enqueue_dma source(%dma_start3A_14 : memref<79x128xi32, #tpu.memory_space<hbm>>) target(%arg7 : memref<79x128xi32, #tpu.memory_space<vmem>>) target_semaphore(%run_scoped3A : memref<!tpu.dma_semaphore, #tpu.memory_space<semaphore_mem>>)
      %dma_wait3A = arith.constant 0 : i32
      %dma_wait3A_15 = arith.constant 0 : i32
      %dma_wait3A_16 = tpu.memref_slice %arg3[%add3A, %dma_wait3A, %dma_wait3A_15] : memref<32x79x128xi32, #tpu.memory_space<hbm>> -> memref<1x79x128xi32, #tpu.memory_space<hbm>>
      %dma_wait3A_17 = tpu.memref_squeeze %dma_wait3A_16 : memref<1x79x128xi32, #tpu.memory_space<hbm>> -> memref<79x128xi32, #tpu.memory_space<hbm>>
      %dma_wait3A_18 = arith.constant 0 : i32
      %dma_wait3A_19 = arith.constant 0 : i32
      %dma_wait3A_20 = tpu.memref_slice %arg3[%add3A, %dma_wait3A_18, %dma_wait3A_19] : memref<32x79x128xi32, #tpu.memory_space<hbm>> -> memref<1x79x128xi32, #tpu.memory_space<hbm>>
      %dma_wait3A_21 = tpu.memref_squeeze %dma_wait3A_20 : memref<1x79x128xi32, #tpu.memory_space<hbm>> -> memref<79x128xi32, #tpu.memory_space<hbm>>
      tpu.wait_dma2 semaphore(%run_scoped3A : memref<!tpu.dma_semaphore, #tpu.memory_space<semaphore_mem>>) src(%dma_wait3A_21 : memref<79x128xi32, #tpu.memory_space<hbm>>) dst(%arg7 : memref<79x128xi32, #tpu.memory_space<vmem>>)
      tpu.yield
    }) : () -> ()
    "tpu.region"() ({
      %run_scoped3A = tpu.sem_alloc : memref<!tpu.dma_semaphore, #tpu.memory_space<semaphore_mem>>
      %dma_start3A = arith.constant 0 : i32
      %dma_start3A_8 = arith.constant 0 : i32
      %dma_start3A_9 = tpu.memref_slice %arg4[%add3A, %dma_start3A, %dma_start3A_8] : memref<32x79x128xi32, #tpu.memory_space<hbm>> -> memref<1x79x128xi32, #tpu.memory_space<hbm>>
      %dma_start3A_10 = tpu.memref_squeeze %dma_start3A_9 : memref<1x79x128xi32, #tpu.memory_space<hbm>> -> memref<79x128xi32, #tpu.memory_space<hbm>>
      %dma_start3A_11 = arith.constant 0 : i32
      %dma_start3A_12 = arith.constant 0 : i32
      %dma_start3A_13 = tpu.memref_slice %arg4[%add3A, %dma_start3A_11, %dma_start3A_12] : memref<32x79x128xi32, #tpu.memory_space<hbm>> -> memref<1x79x128xi32, #tpu.memory_space<hbm>>
      %dma_start3A_14 = tpu.memref_squeeze %dma_start3A_13 : memref<1x79x128xi32, #tpu.memory_space<hbm>> -> memref<79x128xi32, #tpu.memory_space<hbm>>
      tpu.enqueue_dma source(%dma_start3A_14 : memref<79x128xi32, #tpu.memory_space<hbm>>) target(%arg8 : memref<79x128xi32, #tpu.memory_space<vmem>>) target_semaphore(%run_scoped3A : memref<!tpu.dma_semaphore, #tpu.memory_space<semaphore_mem>>)
      %dma_wait3A = arith.constant 0 : i32
      %dma_wait3A_15 = arith.constant 0 : i32
      %dma_wait3A_16 = tpu.memref_slice %arg4[%add3A, %dma_wait3A, %dma_wait3A_15] : memref<32x79x128xi32, #tpu.memory_space<hbm>> -> memref<1x79x128xi32, #tpu.memory_space<hbm>>
      %dma_wait3A_17 = tpu.memref_squeeze %dma_wait3A_16 : memref<1x79x128xi32, #tpu.memory_space<hbm>> -> memref<79x128xi32, #tpu.memory_space<hbm>>
      %dma_wait3A_18 = arith.constant 0 : i32
      %dma_wait3A_19 = arith.constant 0 : i32
      %dma_wait3A_20 = tpu.memref_slice %arg4[%add3A, %dma_wait3A_18, %dma_wait3A_19] : memref<32x79x128xi32, #tpu.memory_space<hbm>> -> memref<1x79x128xi32, #tpu.memory_space<hbm>>
      %dma_wait3A_21 = tpu.memref_squeeze %dma_wait3A_20 : memref<1x79x128xi32, #tpu.memory_space<hbm>> -> memref<79x128xi32, #tpu.memory_space<hbm>>
      tpu.wait_dma2 semaphore(%run_scoped3A : memref<!tpu.dma_semaphore, #tpu.memory_space<semaphore_mem>>) src(%dma_wait3A_21 : memref<79x128xi32, #tpu.memory_space<hbm>>) dst(%arg8 : memref<79x128xi32, #tpu.memory_space<vmem>>)
      tpu.yield
    }) : () -> ()
    %barrier3A = arith.constant 0 : index
    tpu.barrier barrier_id(%barrier3A)
    %scan3A = arith.constant 0 : i32
    %scan3A_3 = arith.constant 79 : i32
    %scan3A_4 = arith.addi %scan3A, %scan3A_3 : i32
    %scan3A_5 = arith.constant 1 : i32
    scf.for %scan3A_8 = %scan3A to %scan3A_4 step %scan3A_5  : i32 {
      %mul3A_9 = arith.constant 1 : i32
      %mul3A_10 = arith.muli %scan3A_8, %mul3A_9 : i32
      %add3A_11 = arith.constant 0 : i32
      %add3A_12 = arith.addi %add3A_11, %mul3A_10 : i32
      %dma_start3A = arith.constant 0 : i32
      %dma_start3A_13 = tpu.memref_slice %arg7[%add3A_12, %dma_start3A] : memref<79x128xi32, #tpu.memory_space<vmem>> -> memref<1x128xi32, #tpu.memory_space<vmem>>
      %dma_start3A_14 = tpu.memref_squeeze %dma_start3A_13 : memref<1x128xi32, #tpu.memory_space<vmem>> -> memref<128xi32, #tpu.memory_space<vmem>>
      %dma_start3A_15 = arith.constant 0 : i32
      %dma_start3A_16 = arith.constant 0 : i32
      %dma_start3A_17 = tpu.memref_slice %arg2[%dma_start3A_15, %dma_start3A_16] : memref<10000x128xf32, #tpu.memory_space<hbm>> -> memref<10000x128xf32, #tpu.memory_space<hbm>>
      tpu.enqueue_indirect_dma source(%dma_start3A_17 : memref<10000x128xf32, #tpu.memory_space<hbm>>) target(%arg9 : memref<128x128xf32, #tpu.memory_space<vmem>>) offsets(%dma_start3A_14 : memref<128xi32, #tpu.memory_space<vmem>>) semaphore(%arg11 : memref<!tpu.dma_semaphore, #tpu.memory_space<semaphore_mem>>)
      %dma_wait3A = arith.constant 0 : i32
      %dma_wait3A_18 = tpu.memref_slice %arg7[%add3A_12, %dma_wait3A] : memref<79x128xi32, #tpu.memory_space<vmem>> -> memref<1x128xi32, #tpu.memory_space<vmem>>
      %dma_wait3A_19 = tpu.memref_squeeze %dma_wait3A_18 : memref<1x128xi32, #tpu.memory_space<vmem>> -> memref<128xi32, #tpu.memory_space<vmem>>
      %dma_wait3A_20 = arith.constant 0 : i32
      %dma_wait3A_21 = arith.constant 0 : i32
      %dma_wait3A_22 = tpu.memref_slice %arg2[%dma_wait3A_20, %dma_wait3A_21] : memref<10000x128xf32, #tpu.memory_space<hbm>> -> memref<10000x128xf32, #tpu.memory_space<hbm>>
      tpu.wait_indirect_dma semaphore(%arg11 : memref<!tpu.dma_semaphore, #tpu.memory_space<semaphore_mem>>) src(%dma_wait3A_22 : memref<10000x128xf32, #tpu.memory_space<hbm>>) dst(%arg9 : memref<128x128xf32, #tpu.memory_space<vmem>>)
      "tpu.region"() ({
        %run_scoped3A = tpu.sem_alloc : memref<!tpu.dma_semaphore, #tpu.memory_space<semaphore_mem>>
        %dma_start3A_23 = arith.constant 0 : i32
        %dma_start3A_24 = tpu.memref_slice %arg8[%add3A_12, %dma_start3A_23] : memref<79x128xi32, #tpu.memory_space<vmem>> -> memref<1x128xi32, #tpu.memory_space<vmem>>
        %dma_start3A_25 = tpu.memref_squeeze %dma_start3A_24 : memref<1x128xi32, #tpu.memory_space<vmem>> -> memref<128xi32, #tpu.memory_space<vmem>>
        %dma_start3A_26 = arith.constant 0 : i32
        %dma_start3A_27 = arith.constant 0 : i32
        %dma_start3A_28 = tpu.memref_slice %arg10[%dma_start3A_26, %dma_start3A_27] : memref<10112x128xf32, #tpu.memory_space<vmem_shared>> -> memref<10112x128xf32, #tpu.memory_space<vmem_shared>>
        tpu.enqueue_indirect_dma source(%arg9 : memref<128x128xf32, #tpu.memory_space<vmem>>) target(%dma_start3A_28 : memref<10112x128xf32, #tpu.memory_space<vmem_shared>>) offsets(%dma_start3A_25 : memref<128xi32, #tpu.memory_space<vmem>>) semaphore(%run_scoped3A : memref<!tpu.dma_semaphore, #tpu.memory_space<semaphore_mem>>) {add = true}
        %dma_wait3A_29 = arith.constant 0 : i32
        %dma_wait3A_30 = tpu.memref_slice %arg8[%add3A_12, %dma_wait3A_29] : memref<79x128xi32, #tpu.memory_space<vmem>> -> memref<1x128xi32, #tpu.memory_space<vmem>>
        %dma_wait3A_31 = tpu.memref_squeeze %dma_wait3A_30 : memref<1x128xi32, #tpu.memory_space<vmem>> -> memref<128xi32, #tpu.memory_space<vmem>>
        %dma_wait3A_32 = arith.constant 0 : i32
        %dma_wait3A_33 = arith.constant 0 : i32
        %dma_wait3A_34 = tpu.memref_slice %arg10[%dma_wait3A_32, %dma_wait3A_33] : memref<10112x128xf32, #tpu.memory_space<vmem_shared>> -> memref<10112x128xf32, #tpu.memory_space<vmem_shared>>
        tpu.wait_indirect_dma semaphore(%run_scoped3A : memref<!tpu.dma_semaphore, #tpu.memory_space<semaphore_mem>>) src(%arg9 : memref<128x128xf32, #tpu.memory_space<vmem>>) dst(%dma_wait3A_34 : memref<10112x128xf32, #tpu.memory_space<vmem_shared>>)
        tpu.yield
      }) : () -> ()
    }
    %scan3A_6 = arith.constant 79 : i32
    %barrier3A_7 = arith.constant 0 : index
    tpu.barrier barrier_id(%barrier3A_7)
    "tpu.region"() ({
      %run_scoped3A = tpu.sem_alloc : memref<!tpu.dma_semaphore, #tpu.memory_space<semaphore_mem>>
      %dma_start3A = arith.constant 0 : i32
      %dma_start3A_8 = arith.constant 0 : i32
      %dma_start3A_9 = tpu.memref_slice %arg6[%arg0, %dma_start3A, %dma_start3A_8] : memref<2x10112x128xf32, #tpu.memory_space<hbm>> -> memref<1x10112x128xf32, #tpu.memory_space<hbm>>
      %dma_start3A_10 = tpu.memref_squeeze %dma_start3A_9 : memref<1x10112x128xf32, #tpu.memory_space<hbm>> -> memref<10112x128xf32, #tpu.memory_space<hbm>>
      %dma_start3A_11 = arith.constant 0 : i32
      %dma_start3A_12 = tpu.memref_slice %dma_start3A_10[%mul3A_2, %dma_start3A_11] : memref<10112x128xf32, #tpu.memory_space<hbm>> -> memref<632x128xf32, #tpu.memory_space<hbm>>
      %dma_start3A_13 = arith.constant 0 : i32
      %dma_start3A_14 = tpu.memref_slice %arg10[%mul3A_2, %dma_start3A_13] : memref<10112x128xf32, #tpu.memory_space<vmem_shared>> -> memref<632x128xf32, #tpu.memory_space<vmem_shared>>
      tpu.enqueue_dma source(%dma_start3A_14 : memref<632x128xf32, #tpu.memory_space<vmem_shared>>) target(%dma_start3A_12 : memref<632x128xf32, #tpu.memory_space<hbm>>) target_semaphore(%run_scoped3A : memref<!tpu.dma_semaphore, #tpu.memory_space<semaphore_mem>>)
      %dma_wait3A = arith.constant 0 : i32
      %dma_wait3A_15 = arith.constant 0 : i32
      %dma_wait3A_16 = tpu.memref_slice %arg6[%arg0, %dma_wait3A, %dma_wait3A_15] : memref<2x10112x128xf32, #tpu.memory_space<hbm>> -> memref<1x10112x128xf32, #tpu.memory_space<hbm>>
      %dma_wait3A_17 = tpu.memref_squeeze %dma_wait3A_16 : memref<1x10112x128xf32, #tpu.memory_space<hbm>> -> memref<10112x128xf32, #tpu.memory_space<hbm>>
      %dma_wait3A_18 = arith.constant 0 : i32
      %dma_wait3A_19 = tpu.memref_slice %dma_wait3A_17[%mul3A_2, %dma_wait3A_18] : memref<10112x128xf32, #tpu.memory_space<hbm>> -> memref<632x128xf32, #tpu.memory_space<hbm>>
      %dma_wait3A_20 = arith.constant 0 : i32
      %dma_wait3A_21 = tpu.memref_slice %arg10[%mul3A_2, %dma_wait3A_20] : memref<10112x128xf32, #tpu.memory_space<vmem_shared>> -> memref<632x128xf32, #tpu.memory_space<vmem_shared>>
      tpu.wait_dma2 semaphore(%run_scoped3A : memref<!tpu.dma_semaphore, #tpu.memory_space<semaphore_mem>>) src(%dma_wait3A_21 : memref<632x128xf32, #tpu.memory_space<vmem_shared>>) dst(%dma_wait3A_19 : memref<632x128xf32, #tpu.memory_space<hbm>>)
      tpu.yield
    }) : () -> ()
    return
  }
}

module attributes {stable_mosaic.version = 14 : i64} {
  func.func @body(%arg0: memref<10000x128xf32, #tpu.memory_space<vmem>>, %arg1: memref<128x128xf32, #tpu.memory_space<vmem>>, %arg2: memref<32x10112xf32, #tpu.memory_space<vmem>>, %arg3: memref<10000x128xf32, #tpu.memory_space<vmem>>) attributes {dimension_semantics = [], scalar_prefetch = 0 : i64, scratch_operands = 0 : i64, tpu.core_type = #tpu.core_type<tc>} {
    %get3A = arith.constant 0 : index
    %get3A_0 = arith.constant 0 : index
    %get3A_1 = vector.load %arg2[%get3A, %get3A_0] : memref<32x10112xf32, #tpu.memory_space<vmem>>, vector<32x10000xf32>
    %reduce_sum3A = arith.constant dense<0.000000e+00> : vector<10000xf32>
    %reduce_sum3A_2 = vector.multi_reduction <add>, %get3A_1, %reduce_sum3A [0] : vector<32x10000xf32> to vector<10000xf32>
    %add3A = arith.constant 1.000000e+00 : f32
    %add3A_3 = vector.broadcast %add3A : f32 to vector<10000xf32>
    %add3A_4 = arith.addf %reduce_sum3A_2, %add3A_3 : vector<10000xf32>
    %rsqrt3A = math.rsqrt %add3A_4 : vector<10000xf32>
    %get3A_5 = arith.constant 0 : index
    %get3A_6 = arith.constant 0 : index
    %get3A_7 = vector.load %arg0[%get3A_5, %get3A_6] : memref<10000x128xf32, #tpu.memory_space<vmem>>, vector<10000x128xf32>
    %get3A_8 = arith.constant 0 : index
    %get3A_9 = arith.constant 0 : index
    %get3A_10 = vector.load %arg1[%get3A_8, %get3A_9] : memref<128x128xf32, #tpu.memory_space<vmem>>, vector<128x128xf32>
    %dot_general3A = arith.constant dense<0.000000e+00> : vector<10000x128xf32>
    %dot_general3A_11 = tpu.matmul %get3A_7, %get3A_10, %dot_general3A {dimension_numbers = #tpu.dot_dimension_numbers<[1], [0], [0], [1], [0, 0, 1, 1], [], []>, transpose_lhs_hint = false} : vector<10000x128xf32>, vector<128x128xf32>, vector<10000x128xf32> -> vector<10000x128xf32>
    %broadcast_in_dim3A = vector.shape_cast %rsqrt3A : vector<10000xf32> to vector<10000x1xf32>
    %mul3A = vector.broadcast %broadcast_in_dim3A : vector<10000x1xf32> to vector<10000x128xf32>
    %mul3A_12 = arith.mulf %dot_general3A_11, %mul3A : vector<10000x128xf32>
    %swap3A = arith.constant 0 : index
    %swap3A_13 = arith.constant 0 : index
    %swap3A_14 = vector.load %arg3[%swap3A, %swap3A_13] : memref<10000x128xf32, #tpu.memory_space<vmem>>, vector<10000x128xf32>
    tpu.vector_store %arg3[%swap3A, %swap3A_13], %mul3A_12 {strides = array<i32>} : memref<10000x128xf32, #tpu.memory_space<vmem>>, vector<10000x128xf32>,
    return
  }
}

module attributes {stable_mosaic.version = 14 : i64} {
  func.func @body(%arg0: memref<2x10112x128xf32, #tpu.memory_space<vmem>>, %arg1: memref<10000x128xf32, #tpu.memory_space<vmem>>, %arg2: memref<32x10112xf32, #tpu.memory_space<vmem>>, %arg3: memref<128x128xf32, #tpu.memory_space<vmem>>, %arg4: memref<128xf32, #tpu.memory_space<vmem>>, %arg5: memref<10000x128xf32, #tpu.memory_space<vmem>>) attributes {dimension_semantics = [], scalar_prefetch = 0 : i64, scratch_operands = 0 : i64, tpu.core_type = #tpu.core_type<tc>} {
    %get3A = arith.constant 0 : index
    %get3A_0 = arith.constant 0 : index
    %get3A_1 = vector.load %arg2[%get3A, %get3A_0] : memref<32x10112xf32, #tpu.memory_space<vmem>>, vector<32x10000xf32>
    %reduce_sum3A = arith.constant dense<0.000000e+00> : vector<10000xf32>
    %reduce_sum3A_2 = vector.multi_reduction <add>, %get3A_1, %reduce_sum3A [0] : vector<32x10000xf32> to vector<10000xf32>
    %add3A = arith.constant 1.000000e+00 : f32
    %add3A_3 = vector.broadcast %add3A : f32 to vector<10000xf32>
    %add3A_4 = arith.addf %reduce_sum3A_2, %add3A_3 : vector<10000xf32>
    %rsqrt3A = math.rsqrt %add3A_4 : vector<10000xf32>
    %get3A_5 = arith.constant 0 : index
    %get3A_6 = arith.constant 0 : index
    %get3A_7 = arith.constant 0 : index
    %get3A_8 = vector.load %arg0[%get3A_5, %get3A_6, %get3A_7] : memref<2x10112x128xf32, #tpu.memory_space<vmem>>, vector<1x10000x128xf32>
    %get3A_9 = vector.shape_cast %get3A_8 : vector<1x10000x128xf32> to vector<10000x128xf32>
    %get3A_10 = arith.constant 1 : index
    %get3A_11 = arith.constant 0 : index
    %get3A_12 = arith.constant 0 : index
    %get3A_13 = vector.load %arg0[%get3A_10, %get3A_11, %get3A_12] : memref<2x10112x128xf32, #tpu.memory_space<vmem>>, vector<1x10000x128xf32>
    %get3A_14 = vector.shape_cast %get3A_13 : vector<1x10000x128xf32> to vector<10000x128xf32>
    %add3A_15 = arith.addf %get3A_9, %get3A_14 : vector<10000x128xf32>
    %get3A_16 = arith.constant 0 : index
    %get3A_17 = arith.constant 0 : index
    %get3A_18 = vector.load %arg1[%get3A_16, %get3A_17] : memref<10000x128xf32, #tpu.memory_space<vmem>>, vector<10000x128xf32>
    %add3A_19 = arith.addf %add3A_15, %get3A_18 : vector<10000x128xf32>
    %broadcast_in_dim3A = vector.shape_cast %rsqrt3A : vector<10000xf32> to vector<10000x1xf32>
    %mul3A = vector.broadcast %broadcast_in_dim3A : vector<10000x1xf32> to vector<10000x128xf32>
    %mul3A_20 = arith.mulf %add3A_19, %mul3A : vector<10000x128xf32>
    %get3A_21 = arith.constant 0 : index
    %get3A_22 = vector.load %arg4[%get3A_21] : memref<128xf32, #tpu.memory_space<vmem>>, vector<128xf32>
    %broadcast_in_dim3A_23 = vector.shape_cast %get3A_22 : vector<128xf32> to vector<1x128xf32>
    %add3A_24 = vector.broadcast %broadcast_in_dim3A_23 : vector<1x128xf32> to vector<10000x128xf32>
    %add3A_25 = arith.addf %mul3A_20, %add3A_24 : vector<10000x128xf32>
    %max3A = arith.constant 0.000000e+00 : f32
    %max3A_26 = vector.broadcast %max3A : f32 to vector<10000x128xf32>
    %max3A_27 = arith.maximumf %add3A_25, %max3A_26 : vector<10000x128xf32>
    %get3A_28 = arith.constant 0 : index
    %get3A_29 = arith.constant 0 : index
    %get3A_30 = vector.load %arg3[%get3A_28, %get3A_29] : memref<128x128xf32, #tpu.memory_space<vmem>>, vector<128x128xf32>
    %dot_general3A = arith.constant dense<0.000000e+00> : vector<10000x128xf32>
    %dot_general3A_31 = tpu.matmul %max3A_27, %get3A_30, %dot_general3A {dimension_numbers = #tpu.dot_dimension_numbers<[1], [0], [0], [1], [0, 0, 1, 1], [], []>, transpose_lhs_hint = false} : vector<10000x128xf32>, vector<128x128xf32>, vector<10000x128xf32> -> vector<10000x128xf32>
    %broadcast_in_dim3A_32 = vector.shape_cast %rsqrt3A : vector<10000xf32> to vector<10000x1xf32>
    %mul3A_33 = vector.broadcast %broadcast_in_dim3A_32 : vector<10000x1xf32> to vector<10000x128xf32>
    %mul3A_34 = arith.mulf %dot_general3A_31, %mul3A_33 : vector<10000x128xf32>
    %swap3A = arith.constant 0 : index
    %swap3A_35 = arith.constant 0 : index
    %swap3A_36 = vector.load %arg5[%swap3A, %swap3A_35] : memref<10000x128xf32, #tpu.memory_space<vmem>>, vector<10000x128xf32>
    tpu.vector_store %arg5[%swap3A, %swap3A_35], %mul3A_34 {strides = array<i32>} : memref<10000x128xf32, #tpu.memory_space<vmem>>, vector<10000x128xf32>,
    return
  }
}

module attributes {stable_mosaic.version = 14 : i64} {
  func.func @body(%arg0: memref<2x10112x128xf32, #tpu.memory_space<vmem>>, %arg1: memref<10000x128xf32, #tpu.memory_space<vmem>>, %arg2: memref<32x10112xf32, #tpu.memory_space<vmem>>, %arg3: memref<64xf32, #tpu.memory_space<vmem>>, %arg4: memref<10000x64xf32, #tpu.memory_space<vmem>>) attributes {dimension_semantics = [], scalar_prefetch = 0 : i64, scratch_operands = 0 : i64, tpu.core_type = #tpu.core_type<tc>} {
    %get3A = arith.constant 0 : index
    %get3A_0 = arith.constant 0 : index
    %get3A_1 = vector.load %arg2[%get3A, %get3A_0] : memref<32x10112xf32, #tpu.memory_space<vmem>>, vector<32x10000xf32>
    %reduce_sum3A = arith.constant dense<0.000000e+00> : vector<10000xf32>
    %reduce_sum3A_2 = vector.multi_reduction <add>, %get3A_1, %reduce_sum3A [0] : vector<32x10000xf32> to vector<10000xf32>
    %add3A = arith.constant 1.000000e+00 : f32
    %add3A_3 = vector.broadcast %add3A : f32 to vector<10000xf32>
    %add3A_4 = arith.addf %reduce_sum3A_2, %add3A_3 : vector<10000xf32>
    %rsqrt3A = math.rsqrt %add3A_4 : vector<10000xf32>
    %get3A_5 = arith.constant 0 : index
    %get3A_6 = arith.constant 0 : index
    %get3A_7 = arith.constant 0 : index
    %get3A_8 = vector.load %arg0[%get3A_5, %get3A_6, %get3A_7] : memref<2x10112x128xf32, #tpu.memory_space<vmem>>, vector<1x10000x64xf32>
    %get3A_9 = vector.shape_cast %get3A_8 : vector<1x10000x64xf32> to vector<10000x64xf32>
    %get3A_10 = arith.constant 1 : index
    %get3A_11 = arith.constant 0 : index
    %get3A_12 = arith.constant 0 : index
    %get3A_13 = vector.load %arg0[%get3A_10, %get3A_11, %get3A_12] : memref<2x10112x128xf32, #tpu.memory_space<vmem>>, vector<1x10000x64xf32>
    %get3A_14 = vector.shape_cast %get3A_13 : vector<1x10000x64xf32> to vector<10000x64xf32>
    %add3A_15 = arith.addf %get3A_9, %get3A_14 : vector<10000x64xf32>
    %get3A_16 = arith.constant 0 : index
    %get3A_17 = arith.constant 0 : index
    %get3A_18 = vector.load %arg1[%get3A_16, %get3A_17] : memref<10000x128xf32, #tpu.memory_space<vmem>>, vector<10000x64xf32>
    %add3A_19 = arith.addf %add3A_15, %get3A_18 : vector<10000x64xf32>
    %broadcast_in_dim3A = vector.shape_cast %rsqrt3A : vector<10000xf32> to vector<10000x1xf32>
    %mul3A = vector.broadcast %broadcast_in_dim3A : vector<10000x1xf32> to vector<10000x64xf32>
    %mul3A_20 = arith.mulf %add3A_19, %mul3A : vector<10000x64xf32>
    %get3A_21 = arith.constant 0 : index
    %get3A_22 = vector.load %arg3[%get3A_21] : memref<64xf32, #tpu.memory_space<vmem>>, vector<64xf32>
    %broadcast_in_dim3A_23 = vector.shape_cast %get3A_22 : vector<64xf32> to vector<1x64xf32>
    %add3A_24 = vector.broadcast %broadcast_in_dim3A_23 : vector<1x64xf32> to vector<10000x64xf32>
    %add3A_25 = arith.addf %mul3A_20, %add3A_24 : vector<10000x64xf32>
    %max3A = arith.constant 0.000000e+00 : f32
    %max3A_26 = vector.broadcast %max3A : f32 to vector<10000x64xf32>
    %max3A_27 = arith.maximumf %add3A_25, %max3A_26 : vector<10000x64xf32>
    %swap3A = arith.constant 0 : index
    %swap3A_28 = arith.constant 0 : index
    %swap3A_29 = vector.load %arg4[%swap3A, %swap3A_28] : memref<10000x64xf32, #tpu.memory_space<vmem>>, vector<10000x64xf32>
    tpu.vector_store %arg4[%swap3A, %swap3A_28], %max3A_27 {strides = array<i32>} : memref<10000x64xf32, #tpu.memory_space<vmem>>, vector<10000x64xf32>,
    return
  }
}

</mosaic_0001>

<sc_bundles>
// kernel: kernel.14.cloned.1.call-start
scs
__scs_entry_jumppad:
0x0: {  	(pc) =	sbr.rel $0x88, $3  }
0x1: {  	(tag) =	ssettag $0x0;
	lr =	simm.s32 $0x1  }
0x2: {  	[smem:$0x3F99] =	sst lr;
	_ =	strace $0xD0000000  }
0x3: {  	_ = 	snop  }
0x4: {  	_ = 	snop  }
0x5: {  	_ = 	snop  }
0x6: {  	_ = 	snop  }
0x7: {  	_ = 	snop  }
__scs_overlays_trampoline_lowered:
0x8: {  	[smem:$0x3FA8] =	sst s0  }
0x9: {  	[smem:$0x3FA9] =	sst s1  }
0xa: {  	[smem:$0x3FAA] =	sst s2  }
0xb: {  	[smem:$0x3FAB] =	sst s3  }
0xc: {  	[smem:$0x3FAC] =	sst s4  }
0xd: {  	[smem:$0x3FAD] =	sst s5  }
0xe: {  	[smem:$0x3FAE] =	sst s6  }
0xf: {  	[smem:$0x3FAF] =	sst s7  }
0x10: {  	[smem:$0x3FB0] =	sst s8  }
0x11: {  	[smem:$0x3FB1] =	sst s9;
	s0 =	simm.s32 @!p0 $0x0  }
0x12: {  	s1 =	sld [smem:$0x3F97];
	s0 =	simm.s32 @p0 $0x1  }
0x13: {  	[smem:$0x3FB2] =	sst s0;
	s0 =	simm.s32 @!p1 $0x0  }
0x14: {  	s2 =	sld [smem:$0x3F96];
	s0 =	simm.s32 @p1 $0x1  }
0x15: {  	[smem:$0x3FB3] =	sst s0;
	s0 =	simm.s32 @!p2 $0x0  }
0x16: {  	s3 =	sld [smem:$0x3FDB];
	s0 =	simm.s32 @p2 $0x1  }
0x17: {  	s4 =	simm.s32 $0x1BF5;
	[smem:$0x3FB5] =	sst s0  }
0x18: {  	s0 =	sld [smem:$0x3F98];
	_ =	swait.ge [sflag:s4], $0x0  }
0x19: {  	s7 =	sld [smem:$0x3F99]  }
0x1a: {  	s8 =	sadd.s32 $0xFFFFE003, lr  }
0x1b: {  	s9 =	sadd.s32 $0xFFFFFEF7, lr;
	s5 =	simm.s32 $0xFFFFFFFF;
	p2 =	slt.u32 s8, $0xFFFFF086  }
0x1c: {  	p1 =	slt.u32 s9, $0xF7A;
	s5 =	simm.s32 @!p2 $0x0  }
0x1d: {  	s5 =	simm.s32 @p1 $0x1;
	p0 =	seq.s32 s7, s2  }
0x1e: {  	s7 =	smul.u32 @!p0 $0xF7A, s2;
	p2 =	seq.s32 @!p0 s5, $0x0  }
0x1f: {  	s9 =	smul.u32 $0xF7A, s1;
	s8 =	simm.s32 @!p0 $0x1BF5;
	p2 =	por !p2, p0  }
0x20: {  	[sflag:s8] =	ssyncset.s32 @!p0 $0xFFFFF086;
	s6 =	sadd.s32 @!p0 s3, s7;
	s7 =	simm.s32 @!p0 $0x108  }
0x21: {  	s3 =	sadd.s32 s3, s9;
	s6 =	sadd.s32 @!p0 $0x88, s6;
	s7 =	simm.s32 @p2 $0x1082  }
0x22: {  	[simem:s7], [sflag:s8] =	dma.local @!p0 [hbm:s6], $0xF7A  }
0x23: {  	s9 =	sor.u32 $0xD0000000, s2;
	s6 =	simm.s32 $0x108;
	_ =	swait.ge @!p0 [sflag:s8], $0x0  }
0x24: {  	s3 =	sadd.s32 $0x88, s3;
	s6 =	simm.s32 @!p1 $0x1082;
	[sflag:s4] =	ssyncset.s32 $0xFFFFF086  }
0x25: {  	[simem:s6], [sflag:s4] =	dma.local [hbm:s3], $0xF7A  }
0x26: {  	[smem:$0x3F99] =	sst s1;
	(tag) =	ssettag s2;
	_ =	strace s9  }
0x27: {  	s1 =	sld [smem:$0x3FA9]  }
0x28: {  	s2 =	sld [smem:$0x3FAA]  }
0x29: {  	s4 =	sld [smem:$0x3FAC]  }
0x2a: {  	p0 =	seq.s32 s5, $0x0;
	s5 =	sld [smem:$0x3FAD]  }
0x2b: {  	s6 =	sld [smem:$0x3FAE]  }
0x2c: {  	s7 =	sld [smem:$0x3FAF]  }
0x2d: {  	s3 =	simm.s32 $0x108;
	s8 =	sld [smem:$0x3FB0]  }
0x2e: {  	s3 =	simm.s32 @!p0 $0x1082;
	s9 =	sld [smem:$0x3FB1]  }
0x2f: {  	lr =	sadd.s32 s0, s3;
	s0 =	sld [smem:$0x3FA8]  }
0x30: {  	s3 =	sld [smem:$0x3FAB]  }
0x31: {  	[smem:$0x3FB4] =	sst s10  }
0x32: {  	s10 =	sld [smem:$0x3FB2];
	_ =	sdelay $0x3  }
0x33: {  	p0 =	seq.s32 s10, $0x1;
	s10 =	sld [smem:$0x3FB4];
	_ =	sdelay $0x3  }
0x34: {  	[smem:$0x3FB4] =	sst s10  }
0x35: {  	s10 =	sld [smem:$0x3FB3];
	_ =	sdelay $0x3  }
0x36: {  	p1 =	seq.s32 s10, $0x1;
	s10 =	sld [smem:$0x3FB4];
	_ =	sdelay $0x3  }
0x37: {  	[smem:$0x3FB4] =	sst s10  }
0x38: {  	s10 =	sld [smem:$0x3FB5]  }
0x39: {  	_ = 	snop;
	(pc) =	sbr.ind lr, $3  }
0x3a: {  	_ = 	snop  }
0x3b: {  	_ = 	snop  }
0x3c: {  	p2 =	seq.s32 s10, $0x1;
	s10 =	sld [smem:$0x3FB4]  }
0x3d: {  	_ =	shalt  }
0x3e: {  	_ =	shalt  }
0x3f: {  	_ =	shalt  }
0x40: {  	_ =	shalt  }
0x41: {  	_ =	shalt  }
0x42: {  	_ =	shalt  }
0x43: {  	_ =	shalt  }
0x44: {  	_ =	shalt  }
0x45: {  	_ =	shalt  }
0x46: {  	_ =	shalt  }
0x47: {  	_ =	shalt  }
0x48: {  	_ =	shalt  }
0x49: {  	_ =	shalt  }
0x4a: {  	_ =	shalt  }
0x4b: {  	_ =	shalt  }
0x4c: {  	_ =	shalt  }
0x4d: {  	_ =	shalt  }
0x4e: {  	_ =	shalt  }
0x4f: {  	_ =	shalt  }
0x50: {  	_ =	shalt  }
0x51: {  	_ =	shalt  }
0x52: {  	_ =	shalt  }
0x53: {  	_ =	shalt  }
0x54: {  	_ =	shalt  }
0x55: {  	_ =	shalt  }
0x56: {  	_ =	shalt  }
0x57: {  	_ =	shalt  }
0x58: {  	_ =	shalt  }
0x59: {  	_ =	shalt  }
0x5a: {  	_ =	shalt  }
0x5b: {  	_ =	shalt  }
0x5c: {  	_ =	shalt  }
0x5d: {  	_ =	shalt  }
0x5e: {  	_ =	shalt  }
0x5f: {  	_ =	shalt  }
0x60: {  	_ =	shalt  }
0x61: {  	_ =	shalt  }
0x62: {  	_ =	shalt  }
0x63: {  	_ =	shalt  }
0x64: {  	_ =	shalt  }
0x65: {  	_ =	shalt  }
0x66: {  	_ =	shalt  }
0x67: {  	_ =	shalt  }
0x68: {  	_ =	shalt  }
0x69: {  	_ =	shalt  }
0x6a: {  	_ =	shalt  }
0x6b: {  	_ =	shalt  }
0x6c: {  	_ =	shalt  }
0x6d: {  	_ =	shalt  }
0x6e: {  	_ =	shalt  }
0x6f: {  	_ =	shalt  }
0x70: {  	_ =	shalt  }
0x71: {  	_ =	shalt  }
0x72: {  	_ =	shalt  }
0x73: {  	_ =	shalt  }
0x74: {  	_ =	shalt  }
0x75: {  	_ =	shalt  }
0x76: {  	_ =	shalt  }
0x77: {  	_ =	shalt  }
0x78: {  	_ =	shalt  }
0x79: {  	_ =	shalt  }
0x7a: {  	_ =	shalt  }
0x7b: {  	_ =	shalt  }
0x7c: {  	_ =	shalt  }
0x7d: {  	_ =	shalt  }
0x7e: {  	_ =	shalt  }
0x7f: {  	_ =	shalt  }
0x80: {  	_ =	shalt  }
0x81: {  	_ =	shalt  }
0x82: {  	_ =	shalt  }
0x83: {  	_ =	shalt  }
0x84: {  	_ =	shalt  }
0x85: {  	_ =	shalt  }
0x86: {  	_ =	shalt  }
0x87: {  	_ =	shalt  }
.Lfunc_end0:
.L_simem_size_0:
called_computation_lowered:
.L_overlay_start_0:
0x88: {  	s2 =	sld [smem:$0x3FD9]  }
0x89: {  	s3 =	sld [smem:$0x3FFE];
	_ =	sdelay $0x1  }
0x8a: {  	s1 =	srdreg.scid  }
0x8b: {  	s0 =	sand.u32 $0x1, s1  }
0x8c: {  	s17 =	sshll.u32 s0, $0xA;
	s2 =	sadd.s32 s3, s2  }
0x8d: {  	s2 =	sadd.s32 s2, s17  }
0x8e: {  	[smem:$0x3FC0] =	sst s2  }
0x8f: {  	_ = 	snop  }
0x90: {  	(tm) =	ssettm $0x1  }
0x91: {  	s18 =	sld [smem:$0x3FFB];
	_ =	sdelay $0x3  }
0x92: {  	_ =	strace s18  }
0x93: {  	s2 =	sld [smem:$0x3FFC];
	_ =	sdelay $0x3  }
0x94: {  	_ =	strace s2  }
0x95: {  	s2 =	sld [smem:$0x3FFD];
	_ =	sdelay $0x3  }
0x96: {  	_ =	strace s2  }
0x97: {  	_ =	strace $0x8FFFFFFF  }
0x98: {  	s19 =	sld [smem:$0x3FDB];
	_ =	sdelay $0x1  }
0x99: {  	s20 =	simm.s32 $_scs_section_size  }
0x9a: {  	s4 =	simm.s32 $_size__tile_overlayer_lowered;
	s5 =	simm.s32 $_tile_overlayer_lowered  }
0x9b: {  	s6 =	simm.s32 $0x1BFF;
	s21 =	sshll.u32 s5, $0x1;
	s3 =	sadd.s32 s20, s19  }
0x9c: {  	s22 =	simm.s32 $0x0;
	s4 =	sshll.u32 s4, $0x1;
	s5 =	sadd.s32 s21, s3  }
0x9d: {  	[timem:s22], [sflag:s6] =	dma.local [hbm:s5], s4  }
0x9e: {  	_ =	swait.ge [sflag:s6], s4  }
0x9f: {  	s4 =	ssub.s32 $0x0, s4;
	[sflag:s6] =	ssyncset.done $0x0  }
0xa0: {  	[sflag:s6] =	ssyncadd.s32 s4;
	_ =	sdelay $0x1  }
0xa1: {  	s23 =	simm.s32 $0x1B8B  }
0xa2: {  	_ =	swait.ge [sflag:s23], $0x1  }
0xa3: {  	[sflag:s23] =	ssyncset.done $0x0  }
0xa4: {  	[sflag:s23] =	ssyncadd.s32 $0xFFFFFFFF  }
0xa5: {  	s4 =	sld [smem:$0x0]  }
0xa6: {  	s5 =	sand.u32 $0xFFFFFFFE, s1  }
0xa7: {  	p0 =	sne.s32 s1, s5  }
0xa8: {  	s5 =	sshll.u32 @p0 s5, $0xE  }
0xa9: {  	s5 =	sadd.s32 @p0 $0x11B8D, s5;
	s6 =	sshll.u32 @p0 s4, $0x11  }
0xaa: {  	s5 =	sor.u32 @p0 s6, s5  }
0xab: {  	[sflag:s5] =	ssyncadd.remote.s32 @p0 $0x1;
	_ =	sdelay $0x1  }
0xac: {  	s5 =	simm.s32 @p0 $0x1B8D  }
0xad: {  	_ =	swait.eq @p0 [sflag:s5], $0x1  }
0xae: {  	[sflag:s5] =	ssyncadd.s32 @p0 $0xFFFFFFFF  }
0xaf: {  	s6 =	sshll.u32 @!p0 s1, $0xE  }
0xb0: {  	s6 =	sor.u32 @!p0 $0x4000, s6;
	s5 =	simm.s32 @!p0 $0x1B8D  }
0xb1: {  	s4 =	sshll.u32 @!p0 s4, $0x11;
	s6 =	sadd.s32 @!p0 $0x11B8D, s6;
	_ =	swait.eq @!p0 [sflag:s5], $0x1  }
0xb2: {  	s4 =	sor.u32 @!p0 s4, s6;
	[sflag:s5] =	ssyncadd.s32 @!p0 $0xFFFFFFFF  }
0xb3: {  	s25 =	simm.s32 $0x1B8E;
	s24 =	sld [smem:$0x3FFE];
	[sflag:s4] =	ssyncadd.remote.s32 @!p0 $0x1  }
0xb4: {  	s26 =	simm.s32 $execute0_lowered;
	[smem:$0x3FD2] =	sst s25  }
0xb5: {  	s5 =	sshll.u32 s26, $0x1;
	_ =	strace $0x80000049;
	[dreg:$0x1] =	wrdreg $0xFFFFFFFF  }
0xb6: {  	s28 =	simm.s32 $_size_execute0_lowered;
	s3 =	sadd.s32 s3, s5;
	[dreg:$0x0] =	wrdreg $0x0  }
0xb7: {  	s5 =	sshll.u32 s28, $0x1;
	[dreg:$0x2] =	wrdreg s3  }
0xb8: {  	[dreg:$0x3] =	wrdreg s5  }
0xb9: {  	[dreg:$0x4] =	wrdreg $0xC0  }
0xba: {  	_ =	task [dreg:s22], $0x5FFFF  }
0xbb: {  	[dreg:$0x1] =	wrdreg $0xFFFFFFFF  }
0xbc: {  	[dreg:$0x0] =	wrdreg $0x60  }
0xbd: {  	[dreg:$0x2] =	wrdreg s24  }
0xbe: {  	[dreg:$0x3] =	wrdreg $0x9  }
0xbf: {  	_ =	task.clear_ibuf [dreg:s22], $0x4FFFF;
	_ =	strace $0x90000049  }
0xc0: {  	s29 =	simm.s32 $0x9;
	_ =	strace $0x8000004B  }
0xc1: {  	_ =	swait.ge [sflag:s29], $0x1  }
0xc2: {  	[sflag:s29] =	ssyncadd.s32 $0xFFFFFFFF  }
0xc3: {  	_ =	strace $0x9000004B  }
0xc4: {  	_ =	sfence  }
0xc5: {  	s30 =	sld [smem:$0x0];
	_ =	sdelay $0x2  }
0xc6: {  	s31 =	sshll.u32 s1, $0xD;
	s1 =	sshrl.u32 s1, $0x2  }
0xc7: {  	s4 =	sand.u32 $0x4000, s31;
	s1 =	sadd.s32 s1, s30  }
0xc8: {  	s0 =	sor.u32 s4, s0;
	s1 =	sshll.u32 s1, $0x11  }
0xc9: {  	s0 =	sor.u32 s1, s0  }
0xca: {  	s0 =	sadd.s32 $0x8F2B, s0  }
0xcb: {  	[sflag:s0] =	ssyncadd.remote.s32 $0x1  }
0xcc: {  	_ =	sfence.sel $0xFFFF  }
0xcd: {  	[dreg:$0x0] =	wrdreg $0xFFFFFFFF;
	(pc) =	sbr.abs _section_cstart, $3  }
0xce: {  	[dreg:$0x1] =	wrdreg $0xFFFFFFFF  }
0xcf: {  	_ =	task.clear_ibuf [dreg:s22], $0x2FFFF;
	_ =	strace $0x9FFFFFFF  }
0xd0: {  	(tm) =	ssettm $0x7FFFFFFF  }
0xd1: {  	_ =	shalt  }
tec
execute0_lowered:
.L_overlay_start_1:
0x0: {  	(tag) =	ssettag $0x1  }
0x1: {  	s0 =	srdreg.scid  }
0x2: {  	s3 =	sand.u32 $0x1, s0  }
0x3: {  	s4 =	rddreg [dreg:$0x0];
	s0 =	stileid.u32;
	s1 =	sshll.u32 s3, $0x4  }
0x4: {  	s2 =	simm.s32 $0x0;
	s7 =	simm.s32 $0x2780;
	s1 =	sor.u32 s0, s1  }
0x5: {  	s8 =	simm.s32 $0x1;
	s9 =	simm.s32 $0x80;
	s1 =	sshrl.u32 s1, $0x3  }
0x6: {  	s10 =	simm.s32 $0x400;
	s6 =	sshll.u32 s0, $0x7;
	s5 =	smul.u32 $0x13C00, s1  }
0x7: {  	s11 =	simm.s32 $0x0;
	[smem:$0x7FF] =	sst s2;
	s6 =	sand.u32 $0x380, s6  }
0x8: {  	s30 =	ssub.s32 $0x2, s3;
	s3 =	sadd.s32 $0x5000, s4;
	s5 =	sor.u32 s6, s5  }
0x9: {  	s31 =	sshrl.u32 s30, $0x1;
	s1 =	rddreg [dreg:$0x1];
	s5 =	sshrl.u32 s5, $0x3  }
0xa: {  	_ =	strace $0x8000004A;
	s6 =	ssub.s32 s30, s31;
	s5 =	sadd.s32 s5, s4  }
0xb: {  	v0 =	vimm.f32 $1.000000000e+00;
	s6 =	smax.u32 s6, $0x1;
	s4 =	sadd.s32 $0xF400, s5;
	s5 =	sadd.s32 $0x19200, s5  }
.LBB2_1:
0xc: {  	[tilespmem:s7], [sflag:$0x1] =	stream.linear.gather [hbm4b:s3+s2], $0x2780, $0x38;
	[tilespmem:$0x4F00] =	vst v63  }
0xd: {  	_ =	swait.ge [sflag:s8], $0x2780  }
0xe: {  	[sflag:s8] =	ssyncset.done $0x0  }
0xf: {  	[sflag:s8] =	ssyncadd.s32 $0xFFFFD880  }
0x10: {  	[tilespmem:s2], [sflag:$0x1] =	stream.strided.gather [hbm4b:s4+s9], $0x2780, s10, s9, $0x38;
	[tilespmem:$0x4F00] =	vst v63  }
0x11: {  	_ =	swait.ge [sflag:s8], $0x2780  }
0x12: {  	[sflag:s8] =	ssyncset.done $0x0  }
0x13: {  	s13 =	simm.s32 $0x0;
	s12 =	simm.s32 $0x40;
	[sflag:s8] =	ssyncadd.s32 $0xFFFFD880  }
.LBB2_2:
0x14: {  	p0 =	sne.s32 s12, $0x9DC0;
	v1 =	vld [tilespmem:s13+$0x0];
	_ =	sdelay $0x3  }
.Ltmp0:
0x15: {  	(pc) =	sbr.rel @p0 .LBB2_2-.Ltmp0, $2  }
0x16: {  	_ =	sdelay $0x2  }
0x17: {  	s13 =	sshra.s32 s12, $0x2;
	s12 =	sadd.s32 $0x40, s12;
	[tilespmem:v1+s7+$0x0] =	vst.idx.add.f32.msk $0xffff, v0  }
0x18: {  	v1 =	vld [tilespmem:s13+$0x0];
	_ =	sdelay $0x5  }
0x19: {  	s11 =	sadd.s32 $0x1, s11  }
0x1a: {  	p0 =	sne.s32 s11, s6  }
.Ltmp1:
0x1b: {  	[tilespmem:v1+s7+$0x0] =	vst.idx.add.f32.msk $0xffff, v0;
	(pc) =	sbr.rel @p0 .LBB2_1-.Ltmp1, $4  }
0x1c: {  	[hbm4b:s5+s9] =	stream.strided.scatter [tilespmem:s7], [sflag:$0x1], $0x2780, s10, s9, $0x38;
	[tilespmem:$0x4F00] =	vst v63  }
0x1d: {  	_ =	swait.ge [sflag:s8], $0x2780  }
0x1e: {  	[sflag:s8] =	ssyncset.done $0x0  }
0x1f: {  	[sflag:s8] =	ssyncadd.s32 $0xFFFFD880  }
0x20: {  	_ =	sfence.sel $0x180000  }
0x21: {  	[bflag:$0x0] =	sbarrier.arrive $0xFFFF  }
0x22: {  	p0 =	sne.s32 s0, $0x0;
	_ =	strace $0x9000004A  }
0x23: {  	s0 =	sadd.s32 @!p0 $0x100000, s1;
	[bflag:$0x2] =	sbarrier.arrive $0xFFFF  }
0x24: {  	[sflag:s0] =	ssyncadd.tile.s32 @!p0 $0x1;
	_ =	shalt  }
.Lfunc_end2:
_tile_overlayer_lowered:
.L_overlay_start_2:
0x25: {  	(tag) =	ssettag $0x2  }
0x26: {  	s0 =	rddreg [dreg:$0x0];
	s2 =	stileid.u32  }
0x27: {  	s1 =	rddreg [dreg:$0x1];
	p0 =	sne.s32 s2, $0x0  }
0x28: {  	s3 =	rddreg [dreg:$0x2];
	[bflag:$0x3] =	sbarrier.arrive $0xFFFF;
	s2 =	simm.s32 @!p0 $0x1C01  }
0x29: {  	[timem:s3], [sflag:s2] =	dma.local @!p0 [hbm:s0], s1  }
0x2a: {  	s0 =	simm.s32 @!p0 $0x1  }
0x2b: {  	_ =	swait.ge @!p0 [sflag:s0], s1  }
0x2c: {  	s1 =	ssub.s32 @!p0 $0x0, s1;
	[sflag:s0] =	ssyncset.done @!p0 $0x0  }
0x2d: {  	[sflag:s0] =	ssyncadd.s32 @!p0 s1  }
0x2e: {  	[bflag:$0x3] =	sbarrier.arrive $0xFFFF  }
0x2f: {  	_ =	shalt  }

// kernel: kernel.17.cloned.1.call-start
scs
__scs_entry_jumppad:
0x0: {  	(pc) =	sbr.rel $0x88, $3  }
0x1: {  	(tag) =	ssettag $0x0;
	lr =	simm.s32 $0x1  }
0x2: {  	[smem:$0x3F99] =	sst lr;
	_ =	strace $0xD0000000  }
0x3: {  	_ = 	snop  }
0x4: {  	_ = 	snop  }
0x5: {  	_ = 	snop  }
0x6: {  	_ = 	snop  }
0x7: {  	_ = 	snop  }
__scs_overlays_trampoline_lowered:
0x8: {  	[smem:$0x3FA8] =	sst s0  }
0x9: {  	[smem:$0x3FA9] =	sst s1  }
0xa: {  	[smem:$0x3FAA] =	sst s2  }
0xb: {  	[smem:$0x3FAB] =	sst s3  }
0xc: {  	[smem:$0x3FAC] =	sst s4  }
0xd: {  	[smem:$0x3FAD] =	sst s5  }
0xe: {  	[smem:$0x3FAE] =	sst s6  }
0xf: {  	[smem:$0x3FAF] =	sst s7  }
0x10: {  	[smem:$0x3FB0] =	sst s8  }
0x11: {  	[smem:$0x3FB1] =	sst s9;
	s0 =	simm.s32 @!p0 $0x0  }
0x12: {  	s1 =	sld [smem:$0x3F97];
	s0 =	simm.s32 @p0 $0x1  }
0x13: {  	[smem:$0x3FB2] =	sst s0;
	s0 =	simm.s32 @!p1 $0x0  }
0x14: {  	s2 =	sld [smem:$0x3F96];
	s0 =	simm.s32 @p1 $0x1  }
0x15: {  	[smem:$0x3FB3] =	sst s0;
	s0 =	simm.s32 @!p2 $0x0  }
0x16: {  	s3 =	sld [smem:$0x3FDB];
	s0 =	simm.s32 @p2 $0x1  }
0x17: {  	s4 =	simm.s32 $0x1BF5;
	[smem:$0x3FB5] =	sst s0  }
0x18: {  	s0 =	sld [smem:$0x3F98];
	_ =	swait.ge [sflag:s4], $0x0  }
0x19: {  	s7 =	sld [smem:$0x3F99]  }
0x1a: {  	s8 =	sadd.s32 $0xFFFFE003, lr  }
0x1b: {  	s9 =	sadd.s32 $0xFFFFFEF7, lr;
	s5 =	simm.s32 $0xFFFFFFFF;
	p2 =	slt.u32 s8, $0xFFFFF086  }
0x1c: {  	p1 =	slt.u32 s9, $0xF7A;
	s5 =	simm.s32 @!p2 $0x0  }
0x1d: {  	s5 =	simm.s32 @p1 $0x1;
	p0 =	seq.s32 s7, s2  }
0x1e: {  	s7 =	smul.u32 @!p0 $0xF7A, s2;
	p2 =	seq.s32 @!p0 s5, $0x0  }
0x1f: {  	s9 =	smul.u32 $0xF7A, s1;
	s8 =	simm.s32 @!p0 $0x1BF5;
	p2 =	por !p2, p0  }
0x20: {  	[sflag:s8] =	ssyncset.s32 @!p0 $0xFFFFF086;
	s6 =	sadd.s32 @!p0 s3, s7;
	s7 =	simm.s32 @!p0 $0x108  }
0x21: {  	s3 =	sadd.s32 s3, s9;
	s6 =	sadd.s32 @!p0 $0x88, s6;
	s7 =	simm.s32 @p2 $0x1082  }
0x22: {  	[simem:s7], [sflag:s8] =	dma.local @!p0 [hbm:s6], $0xF7A  }
0x23: {  	s9 =	sor.u32 $0xD0000000, s2;
	s6 =	simm.s32 $0x108;
	_ =	swait.ge @!p0 [sflag:s8], $0x0  }
0x24: {  	s3 =	sadd.s32 $0x88, s3;
	s6 =	simm.s32 @!p1 $0x1082;
	[sflag:s4] =	ssyncset.s32 $0xFFFFF086  }
0x25: {  	[simem:s6], [sflag:s4] =	dma.local [hbm:s3], $0xF7A  }
0x26: {  	[smem:$0x3F99] =	sst s1;
	(tag) =	ssettag s2;
	_ =	strace s9  }
0x27: {  	s1 =	sld [smem:$0x3FA9]  }
0x28: {  	s2 =	sld [smem:$0x3FAA]  }
0x29: {  	s4 =	sld [smem:$0x3FAC]  }
0x2a: {  	p0 =	seq.s32 s5, $0x0;
	s5 =	sld [smem:$0x3FAD]  }
0x2b: {  	s6 =	sld [smem:$0x3FAE]  }
0x2c: {  	s7 =	sld [smem:$0x3FAF]  }
0x2d: {  	s3 =	simm.s32 $0x108;
	s8 =	sld [smem:$0x3FB0]  }
0x2e: {  	s3 =	simm.s32 @!p0 $0x1082;
	s9 =	sld [smem:$0x3FB1]  }
0x2f: {  	lr =	sadd.s32 s0, s3;
	s0 =	sld [smem:$0x3FA8]  }
0x30: {  	s3 =	sld [smem:$0x3FAB]  }
0x31: {  	[smem:$0x3FB4] =	sst s10  }
0x32: {  	s10 =	sld [smem:$0x3FB2];
	_ =	sdelay $0x3  }
0x33: {  	p0 =	seq.s32 s10, $0x1;
	s10 =	sld [smem:$0x3FB4];
	_ =	sdelay $0x3  }
0x34: {  	[smem:$0x3FB4] =	sst s10  }
0x35: {  	s10 =	sld [smem:$0x3FB3];
	_ =	sdelay $0x3  }
0x36: {  	p1 =	seq.s32 s10, $0x1;
	s10 =	sld [smem:$0x3FB4];
	_ =	sdelay $0x3  }
0x37: {  	[smem:$0x3FB4] =	sst s10  }
0x38: {  	s10 =	sld [smem:$0x3FB5]  }
0x39: {  	_ = 	snop;
	(pc) =	sbr.ind lr, $3  }
0x3a: {  	_ = 	snop  }
0x3b: {  	_ = 	snop  }
0x3c: {  	p2 =	seq.s32 s10, $0x1;
	s10 =	sld [smem:$0x3FB4]  }
0x3d: {  	_ =	shalt  }
0x3e: {  	_ =	shalt  }
0x3f: {  	_ =	shalt  }
0x40: {  	_ =	shalt  }
0x41: {  	_ =	shalt  }
0x42: {  	_ =	shalt  }
0x43: {  	_ =	shalt  }
0x44: {  	_ =	shalt  }
0x45: {  	_ =	shalt  }
0x46: {  	_ =	shalt  }
0x47: {  	_ =	shalt  }
0x48: {  	_ =	shalt  }
0x49: {  	_ =	shalt  }
0x4a: {  	_ =	shalt  }
0x4b: {  	_ =	shalt  }
0x4c: {  	_ =	shalt  }
0x4d: {  	_ =	shalt  }
0x4e: {  	_ =	shalt  }
0x4f: {  	_ =	shalt  }
0x50: {  	_ =	shalt  }
0x51: {  	_ =	shalt  }
0x52: {  	_ =	shalt  }
0x53: {  	_ =	shalt  }
0x54: {  	_ =	shalt  }
0x55: {  	_ =	shalt  }
0x56: {  	_ =	shalt  }
0x57: {  	_ =	shalt  }
0x58: {  	_ =	shalt  }
0x59: {  	_ =	shalt  }
0x5a: {  	_ =	shalt  }
0x5b: {  	_ =	shalt  }
0x5c: {  	_ =	shalt  }
0x5d: {  	_ =	shalt  }
0x5e: {  	_ =	shalt  }
0x5f: {  	_ =	shalt  }
0x60: {  	_ =	shalt  }
0x61: {  	_ =	shalt  }
0x62: {  	_ =	shalt  }
0x63: {  	_ =	shalt  }
0x64: {  	_ =	shalt  }
0x65: {  	_ =	shalt  }
0x66: {  	_ =	shalt  }
0x67: {  	_ =	shalt  }
0x68: {  	_ =	shalt  }
0x69: {  	_ =	shalt  }
0x6a: {  	_ =	shalt  }
0x6b: {  	_ =	shalt  }
0x6c: {  	_ =	shalt  }
0x6d: {  	_ =	shalt  }
0x6e: {  	_ =	shalt  }
0x6f: {  	_ =	shalt  }
0x70: {  	_ =	shalt  }
0x71: {  	_ =	shalt  }
0x72: {  	_ =	shalt  }
0x73: {  	_ =	shalt  }
0x74: {  	_ =	shalt  }
0x75: {  	_ =	shalt  }
0x76: {  	_ =	shalt  }
0x77: {  	_ =	shalt  }
0x78: {  	_ =	shalt  }
0x79: {  	_ =	shalt  }
0x7a: {  	_ =	shalt  }
0x7b: {  	_ =	shalt  }
0x7c: {  	_ =	shalt  }
0x7d: {  	_ =	shalt  }
0x7e: {  	_ =	shalt  }
0x7f: {  	_ =	shalt  }
0x80: {  	_ =	shalt  }
0x81: {  	_ =	shalt  }
0x82: {  	_ =	shalt  }
0x83: {  	_ =	shalt  }
0x84: {  	_ =	shalt  }
0x85: {  	_ =	shalt  }
0x86: {  	_ =	shalt  }
0x87: {  	_ =	shalt  }
.Lfunc_end0:
.L_simem_size_0:
called_computation.1_lowered:
.L_overlay_start_0:
0x88: {  	s2 =	sld [smem:$0x3FD9]  }
0x89: {  	s3 =	sld [smem:$0x3FFE];
	_ =	sdelay $0x1  }
0x8a: {  	s1 =	srdreg.scid  }
0x8b: {  	s0 =	sand.u32 $0x1, s1  }
0x8c: {  	s14 =	sshll.u32 s0, $0xA;
	s2 =	sadd.s32 s3, s2  }
0x8d: {  	s2 =	sadd.s32 s2, s14  }
0x8e: {  	[smem:$0x3FC0] =	sst s2  }
0x8f: {  	_ = 	snop  }
0x90: {  	s2 =	sld [smem:$0x3FD0];
	_ =	sdelay $0x2  }
0x91: {  	s15 =	simm.s32 $0xB;
	s4 =	simm.s32 $0x10  }
0x92: {  	[smem:s4], [sflag:s15] =	dma.local [hbm:s2], $0x1  }
0x93: {  	_ =	swait.eq [sflag:s15], $0x1  }
0x94: {  	[sflag:s15] =	ssyncset.done $0x0  }
0x95: {  	[sflag:s15] =	ssyncadd.s32 $0xFFFFFFFF  }
0x96: {  	s16 =	sld [smem:$0x10];
	(tm) =	ssettm $0x1  }
0x97: {  	s17 =	sld [smem:$0x3FFB];
	_ =	sdelay $0x3  }
0x98: {  	_ =	strace s17  }
0x99: {  	s3 =	sld [smem:$0x3FFC];
	_ =	sdelay $0x3  }
0x9a: {  	_ =	strace s3  }
0x9b: {  	s3 =	sld [smem:$0x3FFD];
	_ =	sdelay $0x3  }
0x9c: {  	_ =	strace s3  }
0x9d: {  	_ =	strace $0x8FFFFFFF  }
0x9e: {  	s18 =	sld [smem:$0x3FDB];
	_ =	sdelay $0x1  }
0x9f: {  	s19 =	simm.s32 $_scs_section_size  }
0xa0: {  	s5 =	simm.s32 $_size__tile_overlayer_lowered;
	s6 =	simm.s32 $_tile_overlayer_lowered  }
0xa1: {  	s22 =	simm.s32 $0x1BFF;
	s21 =	sshll.u32 s6, $0x1;
	s3 =	sadd.s32 s19, s18  }
0xa2: {  	s7 =	simm.s32 $0x0;
	s20 =	sshll.u32 s5, $0x1;
	s5 =	sadd.s32 s21, s3  }
0xa3: {  	[timem:s7], [sflag:s22] =	dma.local [hbm:s5], s20  }
0xa4: {  	_ =	swait.ge [sflag:s22], s20  }
0xa5: {  	s4 =	ssub.s32 $0x0, s20;
	[sflag:s22] =	ssyncset.done $0x0  }
0xa6: {  	[sflag:s22] =	ssyncadd.s32 s4;
	_ =	sdelay $0x1  }
0xa7: {  	s23 =	simm.s32 $0x1B8B  }
0xa8: {  	_ =	swait.ge [sflag:s23], $0x1  }
0xa9: {  	[sflag:s23] =	ssyncset.done $0x0  }
0xaa: {  	s25 =	simm.s32 $0x1B8E;
	s24 =	sld [smem:$0x3FFE];
	[sflag:s23] =	ssyncadd.s32 $0xFFFFFFFF  }
0xab: {  	s26 =	simm.s32 $execute0_lowered;
	[smem:$0x3FD2] =	sst s25  }
0xac: {  	s5 =	sshll.u32 s26, $0x1;
	_ =	strace $0x80000046;
	[dreg:$0x1] =	wrdreg $0xFFFFFFFF  }
0xad: {  	s28 =	simm.s32 $_size_execute0_lowered;
	s3 =	sadd.s32 s3, s5;
	[dreg:$0x0] =	wrdreg $0x0  }
0xae: {  	s5 =	sshll.u32 s28, $0x1;
	[dreg:$0x2] =	wrdreg s3  }
0xaf: {  	[dreg:$0x3] =	wrdreg s5  }
0xb0: {  	[dreg:$0x4] =	wrdreg $0xC0  }
0xb1: {  	_ =	task [dreg:s7], $0x5FFFF  }
0xb2: {  	[dreg:$0x1] =	wrdreg $0xFFFFFFFF  }
0xb3: {  	[dreg:$0x0] =	wrdreg $0x60  }
0xb4: {  	[dreg:$0x2] =	wrdreg s16  }
0xb5: {  	[dreg:$0x3] =	wrdreg s24  }
0xb6: {  	[dreg:$0x4] =	wrdreg $0xA  }
0xb7: {  	_ =	task.clear_ibuf [dreg:s7], $0x5FFFF;
	_ =	strace $0x90000046  }
0xb8: {  	s29 =	simm.s32 $0xA;
	_ =	strace $0x80000048  }
0xb9: {  	_ =	swait.ge [sflag:s29], $0x1  }
0xba: {  	[sflag:s29] =	ssyncadd.s32 $0xFFFFFFFF  }
0xbb: {  	_ =	strace $0x90000048  }
0xbc: {  	_ =	sfence  }
0xbd: {  	s30 =	sld [smem:$0x0];
	_ =	sdelay $0x2  }
0xbe: {  	s31 =	sshll.u32 s1, $0xD;
	s1 =	sshrl.u32 s1, $0x2  }
0xbf: {  	s3 =	sand.u32 $0x4000, s31;
	s1 =	sadd.s32 s1, s30  }
0xc0: {  	s0 =	sor.u32 s3, s0;
	s1 =	sshll.u32 s1, $0x11  }
0xc1: {  	s0 =	sor.u32 s1, s0  }
0xc2: {  	s0 =	sadd.s32 $0x8F2B, s0  }
0xc3: {  	[sflag:s0] =	ssyncadd.remote.s32 $0x1  }
0xc4: {  	_ =	sfence.sel $0xFFFF  }
0xc5: {  	[dreg:$0x0] =	wrdreg $0xFFFFFFFF;
	(pc) =	sbr.abs _section_cstart, $3  }
0xc6: {  	[dreg:$0x1] =	wrdreg $0xFFFFFFFF  }
0xc7: {  	_ =	task.clear_ibuf [dreg:s7], $0x2FFFF;
	_ =	strace $0x9FFFFFFF  }
0xc8: {  	(tm) =	ssettm $0x7FFFFFFF  }
0xc9: {  	_ =	shalt  }
tec
execute0_lowered:
.L_overlay_start_1:
0x0: {  	(tag) =	ssettag $0x1  }
0x1: {  	s0 =	srdreg.scid  }
0x2: {  	s4 =	rddreg [dreg:$0x0];
	s3 =	sand.u32 $0x1, s0  }
0x3: {  	s5 =	rddreg [dreg:$0x1];
	s0 =	stileid.u32;
	s1 =	sshll.u32 s3, $0x4  }
0x4: {  	s2 =	simm.s32 $0x0;
	s9 =	simm.s32 $0x80;
	s1 =	sor.u32 s0, s1  }
0x5: {  	s10 =	simm.s32 $0x400;
	s11 =	simm.s32 $0x0;
	s1 =	sshrl.u32 s1, $0x3  }
0x6: {  	[smem:$0x7FF] =	sst s2;
	s7 =	sshll.u32 s0, $0x7;
	s6 =	smul.u32 $0x13C00, s1  }
0x7: {  	s31 =	ssub.s32 $0x2, s3;
	s3 =	sadd.s32 $0x5000, s5;
	s7 =	sand.u32 $0x380, s7  }
0x8: {  	s8 =	sshrl.u32 s31, $0x1;
	s1 =	rddreg [dreg:$0x2];
	s6 =	sor.u32 s7, s6  }
0x9: {  	_ =	strace $0x80000047;
	s7 =	ssub.s32 s31, s8;
	s6 =	sshrl.u32 s6, $0x3  }
0xa: {  	s8 =	simm.s32 $0x1;
	s5 =	sadd.s32 s6, s5;
	s4 =	sadd.s32 s4, s6  }
0xb: {  	v0 =	vimm.f32 $1.000000000e+00;
	s6 =	smax.u32 s7, $0x1;
	s7 =	simm.s32 $0x2780;
	s5 =	sadd.s32 $0x5600, s5  }
.LBB2_1:
0xc: {  	[tilespmem:s7], [sflag:$0x1] =	stream.linear.gather [hbm4b:s3+s2], $0x2780, $0x38;
	[tilespmem:$0x4F00] =	vst v63  }
0xd: {  	_ =	swait.ge [sflag:s8], $0x2780  }
0xe: {  	[sflag:s8] =	ssyncset.done $0x0  }
0xf: {  	[sflag:s8] =	ssyncadd.s32 $0xFFFFD880  }
0x10: {  	[tilespmem:s2], [sflag:$0x1] =	stream.strided.gather [hbm4b:s4+s9], $0x2780, s10, s9, $0x38;
	[tilespmem:$0x4F00] =	vst v63  }
0x11: {  	_ =	swait.ge [sflag:s8], $0x2780  }
0x12: {  	[sflag:s8] =	ssyncset.done $0x0  }
0x13: {  	s13 =	simm.s32 $0x0;
	s12 =	simm.s32 $0x40;
	[sflag:s8] =	ssyncadd.s32 $0xFFFFD880  }
.LBB2_2:
0x14: {  	p0 =	sne.s32 s12, $0x9DC0;
	v1 =	vld [tilespmem:s13+$0x0];
	_ =	sdelay $0x3  }
.Ltmp0:
0x15: {  	(pc) =	sbr.rel @p0 .LBB2_2-.Ltmp0, $2  }
0x16: {  	_ =	sdelay $0x2  }
0x17: {  	s13 =	sshra.s32 s12, $0x2;
	s12 =	sadd.s32 $0x40, s12;
	[tilespmem:v1+s7+$0x0] =	vst.idx.add.f32.msk $0xffff, v0  }
0x18: {  	v1 =	vld [tilespmem:s13+$0x0];
	_ =	sdelay $0x5  }
0x19: {  	s11 =	sadd.s32 $0x1, s11  }
0x1a: {  	p0 =	sne.s32 s11, s6  }
.Ltmp1:
0x1b: {  	[tilespmem:v1+s7+$0x0] =	vst.idx.add.f32.msk $0xffff, v0;
	(pc) =	sbr.rel @p0 .LBB2_1-.Ltmp1, $4  }
0x1c: {  	[hbm4b:s5+s9] =	stream.strided.scatter [tilespmem:s7], [sflag:$0x1], $0x2780, s10, s9, $0x38;
	[tilespmem:$0x4F00] =	vst v63  }
0x1d: {  	_ =	swait.ge [sflag:s8], $0x2780  }
0x1e: {  	[sflag:s8] =	ssyncset.done $0x0  }
0x1f: {  	[sflag:s8] =	ssyncadd.s32 $0xFFFFD880  }
0x20: {  	_ =	sfence.sel $0x180000  }
0x21: {  	[bflag:$0x0] =	sbarrier.arrive $0xFFFF  }
0x22: {  	p0 =	sne.s32 s0, $0x0;
	_ =	strace $0x90000047  }
0x23: {  	s0 =	sadd.s32 @!p0 $0x100000, s1;
	[bflag:$0x2] =	sbarrier.arrive $0xFFFF  }
0x24: {  	[sflag:s0] =	ssyncadd.tile.s32 @!p0 $0x1;
	_ =	shalt  }
.Lfunc_end2:
_tile_overlayer_lowered:
.L_overlay_start_2:
0x25: {  	(tag) =	ssettag $0x2  }
0x26: {  	s0 =	rddreg [dreg:$0x0];
	s2 =	stileid.u32  }
0x27: {  	s1 =	rddreg [dreg:$0x1];
	p0 =	sne.s32 s2, $0x0  }
0x28: {  	s3 =	rddreg [dreg:$0x2];
	[bflag:$0x3] =	sbarrier.arrive $0xFFFF;
	s2 =	simm.s32 @!p0 $0x1C01  }
0x29: {  	[timem:s3], [sflag:s2] =	dma.local @!p0 [hbm:s0], s1  }
0x2a: {  	s0 =	simm.s32 @!p0 $0x1  }
0x2b: {  	_ =	swait.ge @!p0 [sflag:s0], s1  }
0x2c: {  	s1 =	ssub.s32 @!p0 $0x0, s1;
	[sflag:s0] =	ssyncset.done @!p0 $0x0  }
0x2d: {  	[sflag:s0] =	ssyncadd.s32 @!p0 s1  }
0x2e: {  	[bflag:$0x3] =	sbarrier.arrive $0xFFFF  }
0x2f: {  	_ =	shalt  }

// kernel: kernel.20.cloned.1.call-start
scs
__scs_entry_jumppad:
0x0: {  	(pc) =	sbr.rel $0x88, $3  }
0x1: {  	(tag) =	ssettag $0x0;
	lr =	simm.s32 $0x1  }
0x2: {  	[smem:$0x3F99] =	sst lr;
	_ =	strace $0xD0000000  }
0x3: {  	_ = 	snop  }
0x4: {  	_ = 	snop  }
0x5: {  	_ = 	snop  }
0x6: {  	_ = 	snop  }
0x7: {  	_ = 	snop  }
__scs_overlays_trampoline_lowered:
0x8: {  	[smem:$0x3FA8] =	sst s0  }
0x9: {  	[smem:$0x3FA9] =	sst s1  }
0xa: {  	[smem:$0x3FAA] =	sst s2  }
0xb: {  	[smem:$0x3FAB] =	sst s3  }
0xc: {  	[smem:$0x3FAC] =	sst s4  }
0xd: {  	[smem:$0x3FAD] =	sst s5  }
0xe: {  	[smem:$0x3FAE] =	sst s6  }
0xf: {  	[smem:$0x3FAF] =	sst s7  }
0x10: {  	[smem:$0x3FB0] =	sst s8  }
0x11: {  	[smem:$0x3FB1] =	sst s9;
	s0 =	simm.s32 @!p0 $0x0  }
0x12: {  	s1 =	sld [smem:$0x3F97];
	s0 =	simm.s32 @p0 $0x1  }
0x13: {  	[smem:$0x3FB2] =	sst s0;
	s0 =	simm.s32 @!p1 $0x0  }
0x14: {  	s2 =	sld [smem:$0x3F96];
	s0 =	simm.s32 @p1 $0x1  }
0x15: {  	[smem:$0x3FB3] =	sst s0;
	s0 =	simm.s32 @!p2 $0x0  }
0x16: {  	s3 =	sld [smem:$0x3FDB];
	s0 =	simm.s32 @p2 $0x1  }
0x17: {  	s4 =	simm.s32 $0x1BF5;
	[smem:$0x3FB5] =	sst s0  }
0x18: {  	s0 =	sld [smem:$0x3F98];
	_ =	swait.ge [sflag:s4], $0x0  }
0x19: {  	s7 =	sld [smem:$0x3F99]  }
0x1a: {  	s8 =	sadd.s32 $0xFFFFE003, lr  }
0x1b: {  	s9 =	sadd.s32 $0xFFFFFEF7, lr;
	s5 =	simm.s32 $0xFFFFFFFF;
	p2 =	slt.u32 s8, $0xFFFFF086  }
0x1c: {  	p1 =	slt.u32 s9, $0xF7A;
	s5 =	simm.s32 @!p2 $0x0  }
0x1d: {  	s5 =	simm.s32 @p1 $0x1;
	p0 =	seq.s32 s7, s2  }
0x1e: {  	s7 =	smul.u32 @!p0 $0xF7A, s2;
	p2 =	seq.s32 @!p0 s5, $0x0  }
0x1f: {  	s9 =	smul.u32 $0xF7A, s1;
	s8 =	simm.s32 @!p0 $0x1BF5;
	p2 =	por !p2, p0  }
0x20: {  	[sflag:s8] =	ssyncset.s32 @!p0 $0xFFFFF086;
	s6 =	sadd.s32 @!p0 s3, s7;
	s7 =	simm.s32 @!p0 $0x108  }
0x21: {  	s3 =	sadd.s32 s3, s9;
	s6 =	sadd.s32 @!p0 $0x88, s6;
	s7 =	simm.s32 @p2 $0x1082  }
0x22: {  	[simem:s7], [sflag:s8] =	dma.local @!p0 [hbm:s6], $0xF7A  }
0x23: {  	s9 =	sor.u32 $0xD0000000, s2;
	s6 =	simm.s32 $0x108;
	_ =	swait.ge @!p0 [sflag:s8], $0x0  }
0x24: {  	s3 =	sadd.s32 $0x88, s3;
	s6 =	simm.s32 @!p1 $0x1082;
	[sflag:s4] =	ssyncset.s32 $0xFFFFF086  }
0x25: {  	[simem:s6], [sflag:s4] =	dma.local [hbm:s3], $0xF7A  }
0x26: {  	[smem:$0x3F99] =	sst s1;
	(tag) =	ssettag s2;
	_ =	strace s9  }
0x27: {  	s1 =	sld [smem:$0x3FA9]  }
0x28: {  	s2 =	sld [smem:$0x3FAA]  }
0x29: {  	s4 =	sld [smem:$0x3FAC]  }
0x2a: {  	p0 =	seq.s32 s5, $0x0;
	s5 =	sld [smem:$0x3FAD]  }
0x2b: {  	s6 =	sld [smem:$0x3FAE]  }
0x2c: {  	s7 =	sld [smem:$0x3FAF]  }
0x2d: {  	s3 =	simm.s32 $0x108;
	s8 =	sld [smem:$0x3FB0]  }
0x2e: {  	s3 =	simm.s32 @!p0 $0x1082;
	s9 =	sld [smem:$0x3FB1]  }
0x2f: {  	lr =	sadd.s32 s0, s3;
	s0 =	sld [smem:$0x3FA8]  }
0x30: {  	s3 =	sld [smem:$0x3FAB]  }
0x31: {  	[smem:$0x3FB4] =	sst s10  }
0x32: {  	s10 =	sld [smem:$0x3FB2];
	_ =	sdelay $0x3  }
0x33: {  	p0 =	seq.s32 s10, $0x1;
	s10 =	sld [smem:$0x3FB4];
	_ =	sdelay $0x3  }
0x34: {  	[smem:$0x3FB4] =	sst s10  }
0x35: {  	s10 =	sld [smem:$0x3FB3];
	_ =	sdelay $0x3  }
0x36: {  	p1 =	seq.s32 s10, $0x1;
	s10 =	sld [smem:$0x3FB4];
	_ =	sdelay $0x3  }
0x37: {  	[smem:$0x3FB4] =	sst s10  }
0x38: {  	s10 =	sld [smem:$0x3FB5]  }
0x39: {  	_ = 	snop;
	(pc) =	sbr.ind lr, $3  }
0x3a: {  	_ = 	snop  }
0x3b: {  	_ = 	snop  }
0x3c: {  	p2 =	seq.s32 s10, $0x1;
	s10 =	sld [smem:$0x3FB4]  }
0x3d: {  	_ =	shalt  }
0x3e: {  	_ =	shalt  }
0x3f: {  	_ =	shalt  }
0x40: {  	_ =	shalt  }
0x41: {  	_ =	shalt  }
0x42: {  	_ =	shalt  }
0x43: {  	_ =	shalt  }
0x44: {  	_ =	shalt  }
0x45: {  	_ =	shalt  }
0x46: {  	_ =	shalt  }
0x47: {  	_ =	shalt  }
0x48: {  	_ =	shalt  }
0x49: {  	_ =	shalt  }
0x4a: {  	_ =	shalt  }
0x4b: {  	_ =	shalt  }
0x4c: {  	_ =	shalt  }
0x4d: {  	_ =	shalt  }
0x4e: {  	_ =	shalt  }
0x4f: {  	_ =	shalt  }
0x50: {  	_ =	shalt  }
0x51: {  	_ =	shalt  }
0x52: {  	_ =	shalt  }
0x53: {  	_ =	shalt  }
0x54: {  	_ =	shalt  }
0x55: {  	_ =	shalt  }
0x56: {  	_ =	shalt  }
0x57: {  	_ =	shalt  }
0x58: {  	_ =	shalt  }
0x59: {  	_ =	shalt  }
0x5a: {  	_ =	shalt  }
0x5b: {  	_ =	shalt  }
0x5c: {  	_ =	shalt  }
0x5d: {  	_ =	shalt  }
0x5e: {  	_ =	shalt  }
0x5f: {  	_ =	shalt  }
0x60: {  	_ =	shalt  }
0x61: {  	_ =	shalt  }
0x62: {  	_ =	shalt  }
0x63: {  	_ =	shalt  }
0x64: {  	_ =	shalt  }
0x65: {  	_ =	shalt  }
0x66: {  	_ =	shalt  }
0x67: {  	_ =	shalt  }
0x68: {  	_ =	shalt  }
0x69: {  	_ =	shalt  }
0x6a: {  	_ =	shalt  }
0x6b: {  	_ =	shalt  }
0x6c: {  	_ =	shalt  }
0x6d: {  	_ =	shalt  }
0x6e: {  	_ =	shalt  }
0x6f: {  	_ =	shalt  }
0x70: {  	_ =	shalt  }
0x71: {  	_ =	shalt  }
0x72: {  	_ =	shalt  }
0x73: {  	_ =	shalt  }
0x74: {  	_ =	shalt  }
0x75: {  	_ =	shalt  }
0x76: {  	_ =	shalt  }
0x77: {  	_ =	shalt  }
0x78: {  	_ =	shalt  }
0x79: {  	_ =	shalt  }
0x7a: {  	_ =	shalt  }
0x7b: {  	_ =	shalt  }
0x7c: {  	_ =	shalt  }
0x7d: {  	_ =	shalt  }
0x7e: {  	_ =	shalt  }
0x7f: {  	_ =	shalt  }
0x80: {  	_ =	shalt  }
0x81: {  	_ =	shalt  }
0x82: {  	_ =	shalt  }
0x83: {  	_ =	shalt  }
0x84: {  	_ =	shalt  }
0x85: {  	_ =	shalt  }
0x86: {  	_ =	shalt  }
0x87: {  	_ =	shalt  }
.Lfunc_end0:
.L_simem_size_0:
called_computation.2_lowered:
.L_overlay_start_0:
0x88: {  	s2 =	sld [smem:$0x3FD9]  }
0x89: {  	s3 =	sld [smem:$0x3FFE];
	_ =	sdelay $0x1  }
0x8a: {  	s1 =	srdreg.scid  }
0x8b: {  	s0 =	sand.u32 $0x1, s1  }
0x8c: {  	s15 =	sshll.u32 s0, $0xA;
	s2 =	sadd.s32 s3, s2  }
0x8d: {  	s2 =	sadd.s32 s2, s15  }
0x8e: {  	[smem:$0x3FC0] =	sst s2  }
0x8f: {  	_ = 	snop  }
0x90: {  	s2 =	sld [smem:$0x3FD0];
	_ =	sdelay $0x2  }
0x91: {  	s16 =	simm.s32 $0xB;
	s4 =	simm.s32 $0x10  }
0x92: {  	[smem:s4], [sflag:s16] =	dma.local [hbm:s2], $0x1  }
0x93: {  	_ =	swait.eq [sflag:s16], $0x1  }
0x94: {  	[sflag:s16] =	ssyncset.done $0x0  }
0x95: {  	[sflag:s16] =	ssyncadd.s32 $0xFFFFFFFF  }
0x96: {  	s17 =	sld [smem:$0x10];
	(tm) =	ssettm $0x1  }
0x97: {  	s18 =	sld [smem:$0x3FFB];
	_ =	sdelay $0x3  }
0x98: {  	_ =	strace s18  }
0x99: {  	s2 =	sld [smem:$0x3FFC];
	_ =	sdelay $0x3  }
0x9a: {  	_ =	strace s2  }
0x9b: {  	s2 =	sld [smem:$0x3FFD];
	_ =	sdelay $0x3  }
0x9c: {  	_ =	strace s2  }
0x9d: {  	_ =	strace $0x8FFFFFFF  }
0x9e: {  	s19 =	sld [smem:$0x3FDB];
	_ =	sdelay $0x1  }
0x9f: {  	s20 =	simm.s32 $_scs_section_size  }
0xa0: {  	s5 =	simm.s32 $_size__tile_overlayer_lowered;
	s6 =	simm.s32 $_tile_overlayer_lowered  }
0xa1: {  	s7 =	simm.s32 $0x1BFF;
	s21 =	sshll.u32 s6, $0x1;
	s4 =	sadd.s32 s20, s19  }
0xa2: {  	s22 =	simm.s32 $0x0;
	s5 =	sshll.u32 s5, $0x1;
	s6 =	sadd.s32 s21, s4  }
0xa3: {  	[timem:s22], [sflag:s7] =	dma.local [hbm:s6], s5  }
0xa4: {  	_ =	swait.ge [sflag:s7], s5  }
0xa5: {  	s5 =	ssub.s32 $0x0, s5;
	[sflag:s7] =	ssyncset.done $0x0  }
0xa6: {  	[sflag:s7] =	ssyncadd.s32 s5;
	_ =	sdelay $0x1  }
0xa7: {  	s23 =	simm.s32 $0x1B8B  }
0xa8: {  	_ =	swait.ge [sflag:s23], $0x1  }
0xa9: {  	[sflag:s23] =	ssyncset.done $0x0  }
0xaa: {  	[sflag:s23] =	ssyncadd.s32 $0xFFFFFFFF  }
0xab: {  	s5 =	sld [smem:$0x0]  }
0xac: {  	s6 =	sand.u32 $0xFFFFFFFE, s1  }
0xad: {  	p0 =	sne.s32 s1, s6  }
0xae: {  	s6 =	sshll.u32 @p0 s6, $0xE  }
0xaf: {  	s6 =	sadd.s32 @p0 $0x11B8D, s6;
	s7 =	sshll.u32 @p0 s5, $0x11  }
0xb0: {  	s6 =	sor.u32 @p0 s7, s6  }
0xb1: {  	[sflag:s6] =	ssyncadd.remote.s32 @p0 $0x1;
	_ =	sdelay $0x1  }
0xb2: {  	s6 =	simm.s32 @p0 $0x1B8D  }
0xb3: {  	_ =	swait.eq @p0 [sflag:s6], $0x1  }
0xb4: {  	[sflag:s6] =	ssyncadd.s32 @p0 $0xFFFFFFFF  }
0xb5: {  	s7 =	sshll.u32 @!p0 s1, $0xE  }
0xb6: {  	s7 =	sor.u32 @!p0 $0x4000, s7;
	s6 =	simm.s32 @!p0 $0x1B8D  }
0xb7: {  	s5 =	sshll.u32 @!p0 s5, $0x11;
	s7 =	sadd.s32 @!p0 $0x11B8D, s7;
	_ =	swait.eq @!p0 [sflag:s6], $0x1  }
0xb8: {  	s5 =	sor.u32 @!p0 s5, s7;
	[sflag:s6] =	ssyncadd.s32 @!p0 $0xFFFFFFFF  }
0xb9: {  	s25 =	simm.s32 $0x1B8E;
	s24 =	sld [smem:$0x3FFE];
	[sflag:s5] =	ssyncadd.remote.s32 @!p0 $0x1  }
0xba: {  	s26 =	simm.s32 $execute0_lowered;
	[smem:$0x3FD2] =	sst s25  }
0xbb: {  	s6 =	sshll.u32 s26, $0x1;
	_ =	strace $0x8000004F;
	[dreg:$0x1] =	wrdreg $0xFFFFFFFF  }
0xbc: {  	s28 =	simm.s32 $_size_execute0_lowered;
	s4 =	sadd.s32 s4, s6;
	[dreg:$0x0] =	wrdreg $0x0  }
0xbd: {  	s6 =	sshll.u32 s28, $0x1;
	[dreg:$0x2] =	wrdreg s4  }
0xbe: {  	[dreg:$0x3] =	wrdreg s6  }
0xbf: {  	[dreg:$0x4] =	wrdreg $0xC0  }
0xc0: {  	_ =	task [dreg:s22], $0x5FFFF  }
0xc1: {  	[dreg:$0x1] =	wrdreg $0xFFFFFFFF  }
0xc2: {  	[dreg:$0x0] =	wrdreg $0x60  }
0xc3: {  	[dreg:$0x2] =	wrdreg s24  }
0xc4: {  	[dreg:$0x3] =	wrdreg s17  }
0xc5: {  	[dreg:$0x4] =	wrdreg $0x90000  }
0xc6: {  	[dreg:$0x5] =	wrdreg $0x9  }
0xc7: {  	_ =	task.clear_ibuf [dreg:s22], $0x6FFFF;
	_ =	strace $0x9000004F  }
0xc8: {  	s29 =	simm.s32 $0x9;
	_ =	strace $0x80000051  }
0xc9: {  	_ =	swait.ge [sflag:s29], $0x1  }
0xca: {  	[sflag:s29] =	ssyncadd.s32 $0xFFFFFFFF  }
0xcb: {  	_ =	strace $0x90000051  }
0xcc: {  	_ =	sfence  }
0xcd: {  	s30 =	sld [smem:$0x0];
	_ =	sdelay $0x2  }
0xce: {  	s31 =	sshll.u32 s1, $0xD;
	s1 =	sshrl.u32 s1, $0x2  }
0xcf: {  	s4 =	sand.u32 $0x4000, s31;
	s1 =	sadd.s32 s1, s30  }
0xd0: {  	s0 =	sor.u32 s4, s0;
	s1 =	sshll.u32 s1, $0x11  }
0xd1: {  	s0 =	sor.u32 s1, s0  }
0xd2: {  	s0 =	sadd.s32 $0x8F2B, s0  }
0xd3: {  	[sflag:s0] =	ssyncadd.remote.s32 $0x1  }
0xd4: {  	_ =	sfence.sel $0xFFFF  }
0xd5: {  	[dreg:$0x0] =	wrdreg $0xFFFFFFFF;
	(pc) =	sbr.abs _section_cstart, $3  }
0xd6: {  	[dreg:$0x1] =	wrdreg $0xFFFFFFFF  }
0xd7: {  	_ =	task.clear_ibuf [dreg:s22], $0x2FFFF;
	_ =	strace $0x9FFFFFFF  }
0xd8: {  	(tm) =	ssettm $0x7FFFFFFF  }
0xd9: {  	_ =	shalt  }
tec
execute0_lowered:
.L_overlay_start_1:
0x0: {  	(tag) =	ssettag $0x1  }
0x1: {  	s6 =	rddreg [dreg:$0x0]  }
0x2: {  	s0 =	srdreg.scid;
	s7 =	rddreg [dreg:$0x1]  }
0x3: {  	s2 =	rddreg [dreg:$0x2];
	s1 =	stileid.u32;
	s3 =	simm.s32 $0x0  }
0x4: {  	s14 =	simm.s32 $0x5000;
	s5 =	sand.u32 $0x1, s0;
	s0 =	rddreg [dreg:$0x3]  }
0x5: {  	s15 =	simm.s32 $0x1;
	[smem:$0x7FF] =	sst s3;
	s12 =	smul.u32 $0x4F000, s1  }
0x6: {  	s31 =	sshll.u32 s1, $0x6;
	s17 =	smul.u32 $0x2780, s1;
	s4 =	sshll.u32 s5, $0x4  }
0x7: {  	_ =	strace $0x80000050;
	s9 =	smul.u32 $0x27800, s5;
	s11 =	ssub.s32 $0x2, s5  }
0x8: {  	s5 =	sadd.s32 $0x54200, s6;
	s4 =	sor.u32 s1, s4;
	s29 =	sshrl.u32 s11, $0x1  }
0x9: {  	s30 =	sshrl.u32 s12, $0x2;
	s12 =	simm.s32 $0x2800;
	s8 =	smul.u32 $0x500, s4  }
0xa: {  	s4 =	sadd.s32 $0xAFA00, s6;
	s9 =	sadd.s32 s9, s6;
	s11 =	ssub.s32 s11, s29  }
0xb: {  	s13 =	sadd.s32 s30, s2;
	s16 =	sadd.s32 $0xD6C00, s9;
	s9 =	smax.u32 s11, $0x1  }
0xc: {  	s11 =	simm.s32 $0x2;
	s10 =	sadd.s32 s8, s6;
	s6 =	sor.u32 $0x1C02, s31  }
0xd: {  	s7 =	sadd.s32 s7, s8;
	s16 =	sadd.s32 s17, s16;
	s17 =	simm.s32 $0x0  }
0xe: {  	s8 =	sadd.s32 $0xA5A00, s10;
	s10 =	sshrl.u32 s13, $0x3;
	s13 =	simm.s32 $0x80  }
.LBB2_1:
0xf: {  	[spmem:s10], [sflag:s6] =	dma.local [hbm:s5], $0x2780  }
0x10: {  	_ =	swait.ge [sflag:s11], $0x2780  }
0x11: {  	[sflag:s11] =	ssyncset.done $0x0  }
0x12: {  	[sflag:s11] =	ssyncadd.s32 $0xFFFFD880  }
0x13: {  	[tilespmem:s3], [sflag:$0x2] =	stream.linear.gather [hbm4b:s7+s3], $0x2780, $0x38;
	[tilespmem:$0x1CC00] =	vst v63  }
0x14: {  	_ =	swait.ge [sflag:s11], $0x2780  }
0x15: {  	[sflag:s11] =	ssyncset.done $0x0  }
0x16: {  	[sflag:s11] =	ssyncadd.s32 $0xFFFFD880  }
0x17: {  	[tilespmem:s12], [sflag:$0x2] =	stream.linear.gather [hbm4b:s8+s3], $0x2780, $0x38;
	[tilespmem:$0x1CC00] =	vst v63  }
0x18: {  	_ =	swait.ge [sflag:s11], $0x2780  }
0x19: {  	[sflag:s11] =	ssyncset.done $0x0  }
0x1a: {  	[sflag:s11] =	ssyncadd.s32 $0xFFFFD880  }
0x1b: {  	s18 =	simm.s32 $0x0;
	[bflag:$0x0] =	sbarrier.arrive $0xFFFF  }
0x1c: {  	[tilespmem:s14], [sflag:$0x1] =	stream.indirect.gather [hbm4b:s4+s13], $0x80, s18, s13, $0xb8;
	[tilespmem:$0x1CC00] =	vst v63  }
0x1d: {  	_ =	swait.ge [sflag:s15], $0x4000  }
0x1e: {  	[sflag:s15] =	ssyncset.done $0x0  }
0x1f: {  	s31 =	simm.s32 $0x2800;
	[sflag:s15] =	ssyncadd.s32 $0xFFFFC000  }
0x20: {  	[spmem:s2] =	stream.indirect.scatter.add.f32 [tilespmem:s14], [sflag:$0x2], $0x80, s31, s13, $0xb8;
	[tilespmem:$0x1CC00] =	vst v63  }
0x21: {  	_ =	swait.ge [sflag:s11], $0x4000  }
0x22: {  	s19 =	simm.s32 $0x400;
	s18 =	simm.s32 $0x200;
	[sflag:s11] =	ssyncset.done $0x0  }
.LBB2_2:
0x23: {  	s20 =	sshra.s32 s18, $0x2  }
0x24: {  	[sflag:s11] =	ssyncadd.s32 $0xFFFFC000;
	s18 =	smov.u32 s19;
	s21 =	sadd.s32 $0x200, s19  }
0x25: {  	[tilespmem:s14], [sflag:$0x1] =	stream.indirect.gather [hbm4b:s4+s13], $0x80, s20, s13, $0xb8;
	[tilespmem:$0x1CC00] =	vst v63  }
0x26: {  	p0 =	sne.s32 s19, $0x9C00;
	_ =	swait.ge [sflag:s15], $0x4000  }
.Ltmp0:
0x27: {  	[sflag:s15] =	ssyncset.done $0x0;
	(pc) =	sbr.rel @p0 .LBB2_2-.Ltmp0, $4  }
0x28: {  	s19 =	sadd.s32 $0x2800, s20;
	[sflag:s15] =	ssyncadd.s32 $0xFFFFC000  }
0x29: {  	[spmem:s2] =	stream.indirect.scatter.add.f32 [tilespmem:s14], [sflag:$0x2], $0x80, s19, s13, $0xb8;
	[tilespmem:$0x1CC00] =	vst v63  }
0x2a: {  	_ =	swait.ge [sflag:s11], $0x4000  }
0x2b: {  	s19 =	smov.u32 s21;
	[sflag:s11] =	ssyncset.done $0x0  }
0x2c: {  	s18 =	sshra.s32 s18, $0x2;
	[sflag:s11] =	ssyncadd.s32 $0xFFFFC000  }
0x2d: {  	[tilespmem:s14], [sflag:$0x1] =	stream.indirect.gather [hbm4b:s4+s13], $0x80, s18, s13, $0xb8;
	[tilespmem:$0x1CC00] =	vst v63  }
0x2e: {  	_ =	swait.ge [sflag:s15], $0x4000  }
0x2f: {  	[sflag:s15] =	ssyncset.done $0x0  }
0x30: {  	s18 =	sadd.s32 $0x2800, s18;
	[sflag:s15] =	ssyncadd.s32 $0xFFFFC000  }
0x31: {  	[spmem:s2] =	stream.indirect.scatter.add.f32 [tilespmem:s14], [sflag:$0x2], $0x80, s18, s13, $0xb8;
	[tilespmem:$0x1CC00] =	vst v63  }
0x32: {  	_ =	swait.ge [sflag:s11], $0x4000  }
0x33: {  	s17 =	sadd.s32 $0x1, s17;
	[sflag:s11] =	ssyncset.done $0x0  }
0x34: {  	p0 =	sne.s32 s17, s9;
	[sflag:s11] =	ssyncadd.s32 $0xFFFFC000  }
.Ltmp1:
0x35: {  	[bflag:$0x0] =	sbarrier.arrive $0xFFFF;
	(pc) =	sbr.rel @p0 .LBB2_1-.Ltmp1, $4  }
0x36: {  	[hbm:s16], [sflag:s6] =	dma.local [spmem:s10], $0x2780  }
0x37: {  	_ =	swait.ge [sflag:s11], $0x2780  }
0x38: {  	[sflag:s11] =	ssyncset.done $0x0  }
0x39: {  	[sflag:s11] =	ssyncadd.s32 $0xFFFFD880  }
0x3a: {  	_ =	sfence.sel $0x180000  }
0x3b: {  	[bflag:$0x0] =	sbarrier.arrive $0xFFFF  }
0x3c: {  	p0 =	sne.s32 s1, $0x0;
	_ =	strace $0x90000050  }
0x3d: {  	s0 =	sadd.s32 @!p0 $0x100000, s0;
	[bflag:$0x2] =	sbarrier.arrive $0xFFFF  }
0x3e: {  	[sflag:s0] =	ssyncadd.tile.s32 @!p0 $0x1;
	_ =	shalt  }
.Lfunc_end2:
_tile_overlayer_lowered:
.L_overlay_start_2:
0x3f: {  	(tag) =	ssettag $0x2  }
0x40: {  	s0 =	rddreg [dreg:$0x0];
	s2 =	stileid.u32  }
0x41: {  	s1 =	rddreg [dreg:$0x1];
	p0 =	sne.s32 s2, $0x0  }
0x42: {  	s3 =	rddreg [dreg:$0x2];
	[bflag:$0x3] =	sbarrier.arrive $0xFFFF;
	s2 =	simm.s32 @!p0 $0x1C02  }
0x43: {  	[timem:s3], [sflag:s2] =	dma.local @!p0 [hbm:s0], s1  }
0x44: {  	s0 =	simm.s32 @!p0 $0x2  }
0x45: {  	_ =	swait.ge @!p0 [sflag:s0], s1  }
0x46: {  	s1 =	ssub.s32 @!p0 $0x0, s1;
	[sflag:s0] =	ssyncset.done @!p0 $0x0  }
0x47: {  	[sflag:s0] =	ssyncadd.s32 @!p0 s1  }
0x48: {  	[bflag:$0x3] =	sbarrier.arrive $0xFFFF  }
0x49: {  	_ =	shalt  }

// kernel: kernel.23.cloned.1.call-start
scs
__scs_entry_jumppad:
0x0: {  	(pc) =	sbr.rel $0x88, $3  }
0x1: {  	(tag) =	ssettag $0x0;
	lr =	simm.s32 $0x1  }
0x2: {  	[smem:$0x3F99] =	sst lr;
	_ =	strace $0xD0000000  }
0x3: {  	_ = 	snop  }
0x4: {  	_ = 	snop  }
0x5: {  	_ = 	snop  }
0x6: {  	_ = 	snop  }
0x7: {  	_ = 	snop  }
__scs_overlays_trampoline_lowered:
0x8: {  	[smem:$0x3FA8] =	sst s0  }
0x9: {  	[smem:$0x3FA9] =	sst s1  }
0xa: {  	[smem:$0x3FAA] =	sst s2  }
0xb: {  	[smem:$0x3FAB] =	sst s3  }
0xc: {  	[smem:$0x3FAC] =	sst s4  }
0xd: {  	[smem:$0x3FAD] =	sst s5  }
0xe: {  	[smem:$0x3FAE] =	sst s6  }
0xf: {  	[smem:$0x3FAF] =	sst s7  }
0x10: {  	[smem:$0x3FB0] =	sst s8  }
0x11: {  	[smem:$0x3FB1] =	sst s9;
	s0 =	simm.s32 @!p0 $0x0  }
0x12: {  	s1 =	sld [smem:$0x3F97];
	s0 =	simm.s32 @p0 $0x1  }
0x13: {  	[smem:$0x3FB2] =	sst s0;
	s0 =	simm.s32 @!p1 $0x0  }
0x14: {  	s2 =	sld [smem:$0x3F96];
	s0 =	simm.s32 @p1 $0x1  }
0x15: {  	[smem:$0x3FB3] =	sst s0;
	s0 =	simm.s32 @!p2 $0x0  }
0x16: {  	s3 =	sld [smem:$0x3FDB];
	s0 =	simm.s32 @p2 $0x1  }
0x17: {  	s4 =	simm.s32 $0x1BF5;
	[smem:$0x3FB5] =	sst s0  }
0x18: {  	s0 =	sld [smem:$0x3F98];
	_ =	swait.ge [sflag:s4], $0x0  }
0x19: {  	s7 =	sld [smem:$0x3F99]  }
0x1a: {  	s8 =	sadd.s32 $0xFFFFE003, lr  }
0x1b: {  	s9 =	sadd.s32 $0xFFFFFEF7, lr;
	s5 =	simm.s32 $0xFFFFFFFF;
	p2 =	slt.u32 s8, $0xFFFFF086  }
0x1c: {  	p1 =	slt.u32 s9, $0xF7A;
	s5 =	simm.s32 @!p2 $0x0  }
0x1d: {  	s5 =	simm.s32 @p1 $0x1;
	p0 =	seq.s32 s7, s2  }
0x1e: {  	s7 =	smul.u32 @!p0 $0xF7A, s2;
	p2 =	seq.s32 @!p0 s5, $0x0  }
0x1f: {  	s9 =	smul.u32 $0xF7A, s1;
	s8 =	simm.s32 @!p0 $0x1BF5;
	p2 =	por !p2, p0  }
0x20: {  	[sflag:s8] =	ssyncset.s32 @!p0 $0xFFFFF086;
	s6 =	sadd.s32 @!p0 s3, s7;
	s7 =	simm.s32 @!p0 $0x108  }
0x21: {  	s3 =	sadd.s32 s3, s9;
	s6 =	sadd.s32 @!p0 $0x88, s6;
	s7 =	simm.s32 @p2 $0x1082  }
0x22: {  	[simem:s7], [sflag:s8] =	dma.local @!p0 [hbm:s6], $0xF7A  }
0x23: {  	s9 =	sor.u32 $0xD0000000, s2;
	s6 =	simm.s32 $0x108;
	_ =	swait.ge @!p0 [sflag:s8], $0x0  }
0x24: {  	s3 =	sadd.s32 $0x88, s3;
	s6 =	simm.s32 @!p1 $0x1082;
	[sflag:s4] =	ssyncset.s32 $0xFFFFF086  }
0x25: {  	[simem:s6], [sflag:s4] =	dma.local [hbm:s3], $0xF7A  }
0x26: {  	[smem:$0x3F99] =	sst s1;
	(tag) =	ssettag s2;
	_ =	strace s9  }
0x27: {  	s1 =	sld [smem:$0x3FA9]  }
0x28: {  	s2 =	sld [smem:$0x3FAA]  }
0x29: {  	s4 =	sld [smem:$0x3FAC]  }
0x2a: {  	p0 =	seq.s32 s5, $0x0;
	s5 =	sld [smem:$0x3FAD]  }
0x2b: {  	s6 =	sld [smem:$0x3FAE]  }
0x2c: {  	s7 =	sld [smem:$0x3FAF]  }
0x2d: {  	s3 =	simm.s32 $0x108;
	s8 =	sld [smem:$0x3FB0]  }
0x2e: {  	s3 =	simm.s32 @!p0 $0x1082;
	s9 =	sld [smem:$0x3FB1]  }
0x2f: {  	lr =	sadd.s32 s0, s3;
	s0 =	sld [smem:$0x3FA8]  }
0x30: {  	s3 =	sld [smem:$0x3FAB]  }
0x31: {  	[smem:$0x3FB4] =	sst s10  }
0x32: {  	s10 =	sld [smem:$0x3FB2];
	_ =	sdelay $0x3  }
0x33: {  	p0 =	seq.s32 s10, $0x1;
	s10 =	sld [smem:$0x3FB4];
	_ =	sdelay $0x3  }
0x34: {  	[smem:$0x3FB4] =	sst s10  }
0x35: {  	s10 =	sld [smem:$0x3FB3];
	_ =	sdelay $0x3  }
0x36: {  	p1 =	seq.s32 s10, $0x1;
	s10 =	sld [smem:$0x3FB4];
	_ =	sdelay $0x3  }
0x37: {  	[smem:$0x3FB4] =	sst s10  }
0x38: {  	s10 =	sld [smem:$0x3FB5]  }
0x39: {  	_ = 	snop;
	(pc) =	sbr.ind lr, $3  }
0x3a: {  	_ = 	snop  }
0x3b: {  	_ = 	snop  }
0x3c: {  	p2 =	seq.s32 s10, $0x1;
	s10 =	sld [smem:$0x3FB4]  }
0x3d: {  	_ =	shalt  }
0x3e: {  	_ =	shalt  }
0x3f: {  	_ =	shalt  }
0x40: {  	_ =	shalt  }
0x41: {  	_ =	shalt  }
0x42: {  	_ =	shalt  }
0x43: {  	_ =	shalt  }
0x44: {  	_ =	shalt  }
0x45: {  	_ =	shalt  }
0x46: {  	_ =	shalt  }
0x47: {  	_ =	shalt  }
0x48: {  	_ =	shalt  }
0x49: {  	_ =	shalt  }
0x4a: {  	_ =	shalt  }
0x4b: {  	_ =	shalt  }
0x4c: {  	_ =	shalt  }
0x4d: {  	_ =	shalt  }
0x4e: {  	_ =	shalt  }
0x4f: {  	_ =	shalt  }
0x50: {  	_ =	shalt  }
0x51: {  	_ =	shalt  }
0x52: {  	_ =	shalt  }
0x53: {  	_ =	shalt  }
0x54: {  	_ =	shalt  }
0x55: {  	_ =	shalt  }
0x56: {  	_ =	shalt  }
0x57: {  	_ =	shalt  }
0x58: {  	_ =	shalt  }
0x59: {  	_ =	shalt  }
0x5a: {  	_ =	shalt  }
0x5b: {  	_ =	shalt  }
0x5c: {  	_ =	shalt  }
0x5d: {  	_ =	shalt  }
0x5e: {  	_ =	shalt  }
0x5f: {  	_ =	shalt  }
0x60: {  	_ =	shalt  }
0x61: {  	_ =	shalt  }
0x62: {  	_ =	shalt  }
0x63: {  	_ =	shalt  }
0x64: {  	_ =	shalt  }
0x65: {  	_ =	shalt  }
0x66: {  	_ =	shalt  }
0x67: {  	_ =	shalt  }
0x68: {  	_ =	shalt  }
0x69: {  	_ =	shalt  }
0x6a: {  	_ =	shalt  }
0x6b: {  	_ =	shalt  }
0x6c: {  	_ =	shalt  }
0x6d: {  	_ =	shalt  }
0x6e: {  	_ =	shalt  }
0x6f: {  	_ =	shalt  }
0x70: {  	_ =	shalt  }
0x71: {  	_ =	shalt  }
0x72: {  	_ =	shalt  }
0x73: {  	_ =	shalt  }
0x74: {  	_ =	shalt  }
0x75: {  	_ =	shalt  }
0x76: {  	_ =	shalt  }
0x77: {  	_ =	shalt  }
0x78: {  	_ =	shalt  }
0x79: {  	_ =	shalt  }
0x7a: {  	_ =	shalt  }
0x7b: {  	_ =	shalt  }
0x7c: {  	_ =	shalt  }
0x7d: {  	_ =	shalt  }
0x7e: {  	_ =	shalt  }
0x7f: {  	_ =	shalt  }
0x80: {  	_ =	shalt  }
0x81: {  	_ =	shalt  }
0x82: {  	_ =	shalt  }
0x83: {  	_ =	shalt  }
0x84: {  	_ =	shalt  }
0x85: {  	_ =	shalt  }
0x86: {  	_ =	shalt  }
0x87: {  	_ =	shalt  }
.Lfunc_end0:
.L_simem_size_0:
called_computation.3_lowered:
.L_overlay_start_0:
0x88: {  	s2 =	sld [smem:$0x3FD9]  }
0x89: {  	s3 =	sld [smem:$0x3FFE];
	_ =	sdelay $0x1  }
0x8a: {  	s1 =	srdreg.scid  }
0x8b: {  	s0 =	sand.u32 $0x1, s1  }
0x8c: {  	s15 =	sshll.u32 s0, $0xA;
	s2 =	sadd.s32 s3, s2  }
0x8d: {  	s2 =	sadd.s32 s2, s15  }
0x8e: {  	[smem:$0x3FC0] =	sst s2  }
0x8f: {  	_ = 	snop  }
0x90: {  	s2 =	sld [smem:$0x3FD0];
	_ =	sdelay $0x2  }
0x91: {  	s16 =	simm.s32 $0xB;
	s4 =	simm.s32 $0x10  }
0x92: {  	[smem:s4], [sflag:s16] =	dma.local [hbm:s2], $0x1  }
0x93: {  	_ =	swait.eq [sflag:s16], $0x1  }
0x94: {  	[sflag:s16] =	ssyncset.done $0x0  }
0x95: {  	[sflag:s16] =	ssyncadd.s32 $0xFFFFFFFF  }
0x96: {  	s17 =	sld [smem:$0x11];
	(tm) =	ssettm $0x1  }
0x97: {  	s18 =	sld [smem:$0x3FFB];
	_ =	sdelay $0x3  }
0x98: {  	_ =	strace s18  }
0x99: {  	s2 =	sld [smem:$0x3FFC];
	_ =	sdelay $0x3  }
0x9a: {  	_ =	strace s2  }
0x9b: {  	s2 =	sld [smem:$0x3FFD];
	_ =	sdelay $0x3  }
0x9c: {  	_ =	strace s2  }
0x9d: {  	_ =	strace $0x8FFFFFFF  }
0x9e: {  	s19 =	sld [smem:$0x3FDB];
	_ =	sdelay $0x1  }
0x9f: {  	s20 =	simm.s32 $_scs_section_size  }
0xa0: {  	s5 =	simm.s32 $_size__tile_overlayer_lowered;
	s6 =	simm.s32 $_tile_overlayer_lowered  }
0xa1: {  	s7 =	simm.s32 $0x1BFF;
	s21 =	sshll.u32 s6, $0x1;
	s4 =	sadd.s32 s20, s19  }
0xa2: {  	s22 =	simm.s32 $0x0;
	s5 =	sshll.u32 s5, $0x1;
	s6 =	sadd.s32 s21, s4  }
0xa3: {  	[timem:s22], [sflag:s7] =	dma.local [hbm:s6], s5  }
0xa4: {  	_ =	swait.ge [sflag:s7], s5  }
0xa5: {  	s5 =	ssub.s32 $0x0, s5;
	[sflag:s7] =	ssyncset.done $0x0  }
0xa6: {  	[sflag:s7] =	ssyncadd.s32 s5;
	_ =	sdelay $0x1  }
0xa7: {  	s23 =	simm.s32 $0x1B8B  }
0xa8: {  	_ =	swait.ge [sflag:s23], $0x1  }
0xa9: {  	[sflag:s23] =	ssyncset.done $0x0  }
0xaa: {  	[sflag:s23] =	ssyncadd.s32 $0xFFFFFFFF  }
0xab: {  	s5 =	sld [smem:$0x0]  }
0xac: {  	s6 =	sand.u32 $0xFFFFFFFE, s1  }
0xad: {  	p0 =	sne.s32 s1, s6  }
0xae: {  	s6 =	sshll.u32 @p0 s6, $0xE  }
0xaf: {  	s6 =	sadd.s32 @p0 $0x11B8D, s6;
	s7 =	sshll.u32 @p0 s5, $0x11  }
0xb0: {  	s6 =	sor.u32 @p0 s7, s6  }
0xb1: {  	[sflag:s6] =	ssyncadd.remote.s32 @p0 $0x1;
	_ =	sdelay $0x1  }
0xb2: {  	s6 =	simm.s32 @p0 $0x1B8D  }
0xb3: {  	_ =	swait.eq @p0 [sflag:s6], $0x1  }
0xb4: {  	[sflag:s6] =	ssyncadd.s32 @p0 $0xFFFFFFFF  }
0xb5: {  	s7 =	sshll.u32 @!p0 s1, $0xE  }
0xb6: {  	s7 =	sor.u32 @!p0 $0x4000, s7;
	s6 =	simm.s32 @!p0 $0x1B8D  }
0xb7: {  	s5 =	sshll.u32 @!p0 s5, $0x11;
	s7 =	sadd.s32 @!p0 $0x11B8D, s7;
	_ =	swait.eq @!p0 [sflag:s6], $0x1  }
0xb8: {  	s5 =	sor.u32 @!p0 s5, s7;
	[sflag:s6] =	ssyncadd.s32 @!p0 $0xFFFFFFFF  }
0xb9: {  	s25 =	simm.s32 $0x1B8E;
	s24 =	sld [smem:$0x3FFE];
	[sflag:s5] =	ssyncadd.remote.s32 @!p0 $0x1  }
0xba: {  	s26 =	simm.s32 $execute0_lowered;
	[smem:$0x3FD2] =	sst s25  }
0xbb: {  	s6 =	sshll.u32 s26, $0x1;
	_ =	strace $0x8000004C;
	[dreg:$0x1] =	wrdreg $0xFFFFFFFF  }
0xbc: {  	s28 =	simm.s32 $_size_execute0_lowered;
	s4 =	sadd.s32 s4, s6;
	[dreg:$0x0] =	wrdreg $0x0  }
0xbd: {  	s6 =	sshll.u32 s28, $0x1;
	[dreg:$0x2] =	wrdreg s4  }
0xbe: {  	[dreg:$0x3] =	wrdreg s6  }
0xbf: {  	[dreg:$0x4] =	wrdreg $0xC0  }
0xc0: {  	_ =	task [dreg:s22], $0x5FFFF  }
0xc1: {  	[dreg:$0x1] =	wrdreg $0xFFFFFFFF  }
0xc2: {  	[dreg:$0x0] =	wrdreg $0x60  }
0xc3: {  	[dreg:$0x2] =	wrdreg s24  }
0xc4: {  	[dreg:$0x3] =	wrdreg s17  }
0xc5: {  	[dreg:$0x4] =	wrdreg $0x90000  }
0xc6: {  	[dreg:$0x5] =	wrdreg $0xA  }
0xc7: {  	_ =	task.clear_ibuf [dreg:s22], $0x6FFFF;
	_ =	strace $0x9000004C  }
0xc8: {  	s29 =	simm.s32 $0xA;
	_ =	strace $0x8000004E  }
0xc9: {  	_ =	swait.ge [sflag:s29], $0x1  }
0xca: {  	[sflag:s29] =	ssyncadd.s32 $0xFFFFFFFF  }
0xcb: {  	_ =	strace $0x9000004E  }
0xcc: {  	_ =	sfence  }
0xcd: {  	s30 =	sld [smem:$0x0];
	_ =	sdelay $0x2  }
0xce: {  	s31 =	sshll.u32 s1, $0xD;
	s1 =	sshrl.u32 s1, $0x2  }
0xcf: {  	s4 =	sand.u32 $0x4000, s31;
	s1 =	sadd.s32 s1, s30  }
0xd0: {  	s0 =	sor.u32 s4, s0;
	s1 =	sshll.u32 s1, $0x11  }
0xd1: {  	s0 =	sor.u32 s1, s0  }
0xd2: {  	s0 =	sadd.s32 $0x8F2B, s0  }
0xd3: {  	[sflag:s0] =	ssyncadd.remote.s32 $0x1  }
0xd4: {  	_ =	sfence.sel $0xFFFF  }
0xd5: {  	[dreg:$0x0] =	wrdreg $0xFFFFFFFF;
	(pc) =	sbr.abs _section_cstart, $3  }
0xd6: {  	[dreg:$0x1] =	wrdreg $0xFFFFFFFF  }
0xd7: {  	_ =	task.clear_ibuf [dreg:s22], $0x2FFFF;
	_ =	strace $0x9FFFFFFF  }
0xd8: {  	(tm) =	ssettm $0x7FFFFFFF  }
0xd9: {  	_ =	shalt  }
tec
execute0_lowered:
.L_overlay_start_1:
0x0: {  	(tag) =	ssettag $0x1  }
0x1: {  	s6 =	rddreg [dreg:$0x0]  }
0x2: {  	s0 =	srdreg.scid;
	s7 =	rddreg [dreg:$0x1]  }
0x3: {  	s2 =	rddreg [dreg:$0x2];
	s1 =	stileid.u32;
	s3 =	simm.s32 $0x0  }
0x4: {  	s14 =	simm.s32 $0x5000;
	s5 =	sand.u32 $0x1, s0;
	s0 =	rddreg [dreg:$0x3]  }
0x5: {  	s15 =	simm.s32 $0x1;
	[smem:$0x7FF] =	sst s3;
	s12 =	smul.u32 $0x4F000, s1  }
0x6: {  	s31 =	sshll.u32 s1, $0x6;
	s17 =	smul.u32 $0x2780, s1;
	s4 =	sshll.u32 s5, $0x4  }
0x7: {  	_ =	strace $0x8000004D;
	s9 =	smul.u32 $0x27800, s5;
	s11 =	ssub.s32 $0x2, s5  }
0x8: {  	s5 =	sadd.s32 $0x54200, s6;
	s4 =	sor.u32 s1, s4;
	s29 =	sshrl.u32 s11, $0x1  }
0x9: {  	s30 =	sshrl.u32 s12, $0x2;
	s12 =	simm.s32 $0x2800;
	s8 =	smul.u32 $0x500, s4  }
0xa: {  	s4 =	sadd.s32 $0x2D000, s6;
	s9 =	sadd.s32 s9, s6;
	s11 =	ssub.s32 s11, s29  }
0xb: {  	s13 =	sadd.s32 s30, s2;
	s16 =	sadd.s32 $0x56A00, s9;
	s9 =	smax.u32 s11, $0x1  }
0xc: {  	s11 =	simm.s32 $0x2;
	s10 =	sadd.s32 s8, s6;
	s6 =	sor.u32 $0x1C02, s31  }
0xd: {  	s7 =	sadd.s32 s7, s8;
	s16 =	sadd.s32 s17, s16;
	s17 =	simm.s32 $0x0  }
0xe: {  	s8 =	sadd.s32 $0x23000, s10;
	s10 =	sshrl.u32 s13, $0x3;
	s13 =	simm.s32 $0x80  }
.LBB2_1:
0xf: {  	[spmem:s10], [sflag:s6] =	dma.local [hbm:s5], $0x2780  }
0x10: {  	_ =	swait.ge [sflag:s11], $0x2780  }
0x11: {  	[sflag:s11] =	ssyncset.done $0x0  }
0x12: {  	[sflag:s11] =	ssyncadd.s32 $0xFFFFD880  }
0x13: {  	[tilespmem:s3], [sflag:$0x2] =	stream.linear.gather [hbm4b:s7+s3], $0x2780, $0x38;
	[tilespmem:$0x1CC00] =	vst v63  }
0x14: {  	_ =	swait.ge [sflag:s11], $0x2780  }
0x15: {  	[sflag:s11] =	ssyncset.done $0x0  }
0x16: {  	[sflag:s11] =	ssyncadd.s32 $0xFFFFD880  }
0x17: {  	[tilespmem:s12], [sflag:$0x2] =	stream.linear.gather [hbm4b:s8+s3], $0x2780, $0x38;
	[tilespmem:$0x1CC00] =	vst v63  }
0x18: {  	_ =	swait.ge [sflag:s11], $0x2780  }
0x19: {  	[sflag:s11] =	ssyncset.done $0x0  }
0x1a: {  	[sflag:s11] =	ssyncadd.s32 $0xFFFFD880  }
0x1b: {  	s18 =	simm.s32 $0x0;
	[bflag:$0x0] =	sbarrier.arrive $0xFFFF  }
0x1c: {  	[tilespmem:s14], [sflag:$0x1] =	stream.indirect.gather [hbm4b:s4+s13], $0x80, s18, s13, $0xb8;
	[tilespmem:$0x1CC00] =	vst v63  }
0x1d: {  	_ =	swait.ge [sflag:s15], $0x4000  }
0x1e: {  	[sflag:s15] =	ssyncset.done $0x0  }
0x1f: {  	s31 =	simm.s32 $0x2800;
	[sflag:s15] =	ssyncadd.s32 $0xFFFFC000  }
0x20: {  	[spmem:s2] =	stream.indirect.scatter.add.f32 [tilespmem:s14], [sflag:$0x2], $0x80, s31, s13, $0xb8;
	[tilespmem:$0x1CC00] =	vst v63  }
0x21: {  	_ =	swait.ge [sflag:s11], $0x4000  }
0x22: {  	s19 =	simm.s32 $0x400;
	s18 =	simm.s32 $0x200;
	[sflag:s11] =	ssyncset.done $0x0  }
.LBB2_2:
0x23: {  	s20 =	sshra.s32 s18, $0x2  }
0x24: {  	[sflag:s11] =	ssyncadd.s32 $0xFFFFC000;
	s18 =	smov.u32 s19;
	s21 =	sadd.s32 $0x200, s19  }
0x25: {  	[tilespmem:s14], [sflag:$0x1] =	stream.indirect.gather [hbm4b:s4+s13], $0x80, s20, s13, $0xb8;
	[tilespmem:$0x1CC00] =	vst v63  }
0x26: {  	p0 =	sne.s32 s19, $0x9C00;
	_ =	swait.ge [sflag:s15], $0x4000  }
.Ltmp0:
0x27: {  	[sflag:s15] =	ssyncset.done $0x0;
	(pc) =	sbr.rel @p0 .LBB2_2-.Ltmp0, $4  }
0x28: {  	s19 =	sadd.s32 $0x2800, s20;
	[sflag:s15] =	ssyncadd.s32 $0xFFFFC000  }
0x29: {  	[spmem:s2] =	stream.indirect.scatter.add.f32 [tilespmem:s14], [sflag:$0x2], $0x80, s19, s13, $0xb8;
	[tilespmem:$0x1CC00] =	vst v63  }
0x2a: {  	_ =	swait.ge [sflag:s11], $0x4000  }
0x2b: {  	s19 =	smov.u32 s21;
	[sflag:s11] =	ssyncset.done $0x0  }
0x2c: {  	s18 =	sshra.s32 s18, $0x2;
	[sflag:s11] =	ssyncadd.s32 $0xFFFFC000  }
0x2d: {  	[tilespmem:s14], [sflag:$0x1] =	stream.indirect.gather [hbm4b:s4+s13], $0x80, s18, s13, $0xb8;
	[tilespmem:$0x1CC00] =	vst v63  }
0x2e: {  	_ =	swait.ge [sflag:s15], $0x4000  }
0x2f: {  	[sflag:s15] =	ssyncset.done $0x0  }
0x30: {  	s18 =	sadd.s32 $0x2800, s18;
	[sflag:s15] =	ssyncadd.s32 $0xFFFFC000  }
0x31: {  	[spmem:s2] =	stream.indirect.scatter.add.f32 [tilespmem:s14], [sflag:$0x2], $0x80, s18, s13, $0xb8;
	[tilespmem:$0x1CC00] =	vst v63  }
0x32: {  	_ =	swait.ge [sflag:s11], $0x4000  }
0x33: {  	s17 =	sadd.s32 $0x1, s17;
	[sflag:s11] =	ssyncset.done $0x0  }
0x34: {  	p0 =	sne.s32 s17, s9;
	[sflag:s11] =	ssyncadd.s32 $0xFFFFC000  }
.Ltmp1:
0x35: {  	[bflag:$0x0] =	sbarrier.arrive $0xFFFF;
	(pc) =	sbr.rel @p0 .LBB2_1-.Ltmp1, $4  }
0x36: {  	[hbm:s16], [sflag:s6] =	dma.local [spmem:s10], $0x2780  }
0x37: {  	_ =	swait.ge [sflag:s11], $0x2780  }
0x38: {  	[sflag:s11] =	ssyncset.done $0x0  }
0x39: {  	[sflag:s11] =	ssyncadd.s32 $0xFFFFD880  }
0x3a: {  	_ =	sfence.sel $0x180000  }
0x3b: {  	[bflag:$0x0] =	sbarrier.arrive $0xFFFF  }
0x3c: {  	p0 =	sne.s32 s1, $0x0;
	_ =	strace $0x9000004D  }
0x3d: {  	s0 =	sadd.s32 @!p0 $0x100000, s0;
	[bflag:$0x2] =	sbarrier.arrive $0xFFFF  }
0x3e: {  	[sflag:s0] =	ssyncadd.tile.s32 @!p0 $0x1;
	_ =	shalt  }
.Lfunc_end2:
_tile_overlayer_lowered:
.L_overlay_start_2:
0x3f: {  	(tag) =	ssettag $0x2  }
0x40: {  	s0 =	rddreg [dreg:$0x0];
	s2 =	stileid.u32  }
0x41: {  	s1 =	rddreg [dreg:$0x1];
	p0 =	sne.s32 s2, $0x0  }
0x42: {  	s3 =	rddreg [dreg:$0x2];
	[bflag:$0x3] =	sbarrier.arrive $0xFFFF;
	s2 =	simm.s32 @!p0 $0x1C02  }
0x43: {  	[timem:s3], [sflag:s2] =	dma.local @!p0 [hbm:s0], s1  }
0x44: {  	s0 =	simm.s32 @!p0 $0x2  }
0x45: {  	_ =	swait.ge @!p0 [sflag:s0], s1  }
0x46: {  	s1 =	ssub.s32 @!p0 $0x0, s1;
	[sflag:s0] =	ssyncset.done @!p0 $0x0  }
0x47: {  	[sflag:s0] =	ssyncadd.s32 @!p0 s1  }
0x48: {  	[bflag:$0x3] =	sbarrier.arrive $0xFFFF  }
0x49: {  	_ =	shalt  }

// kernel: kernel.26.cloned.1.call-start
scs
__scs_entry_jumppad:
0x0: {  	(pc) =	sbr.rel $0x88, $3  }
0x1: {  	(tag) =	ssettag $0x0;
	lr =	simm.s32 $0x1  }
0x2: {  	[smem:$0x3F99] =	sst lr;
	_ =	strace $0xD0000000  }
0x3: {  	_ = 	snop  }
0x4: {  	_ = 	snop  }
0x5: {  	_ = 	snop  }
0x6: {  	_ = 	snop  }
0x7: {  	_ = 	snop  }
__scs_overlays_trampoline_lowered:
0x8: {  	[smem:$0x3FA8] =	sst s0  }
0x9: {  	[smem:$0x3FA9] =	sst s1  }
0xa: {  	[smem:$0x3FAA] =	sst s2  }
0xb: {  	[smem:$0x3FAB] =	sst s3  }
0xc: {  	[smem:$0x3FAC] =	sst s4  }
0xd: {  	[smem:$0x3FAD] =	sst s5  }
0xe: {  	[smem:$0x3FAE] =	sst s6  }
0xf: {  	[smem:$0x3FAF] =	sst s7  }
0x10: {  	[smem:$0x3FB0] =	sst s8  }
0x11: {  	[smem:$0x3FB1] =	sst s9;
	s0 =	simm.s32 @!p0 $0x0  }
0x12: {  	s1 =	sld [smem:$0x3F97];
	s0 =	simm.s32 @p0 $0x1  }
0x13: {  	[smem:$0x3FB2] =	sst s0;
	s0 =	simm.s32 @!p1 $0x0  }
0x14: {  	s2 =	sld [smem:$0x3F96];
	s0 =	simm.s32 @p1 $0x1  }
0x15: {  	[smem:$0x3FB3] =	sst s0;
	s0 =	simm.s32 @!p2 $0x0  }
0x16: {  	s3 =	sld [smem:$0x3FDB];
	s0 =	simm.s32 @p2 $0x1  }
0x17: {  	s4 =	simm.s32 $0x1BF5;
	[smem:$0x3FB5] =	sst s0  }
0x18: {  	s0 =	sld [smem:$0x3F98];
	_ =	swait.ge [sflag:s4], $0x0  }
0x19: {  	s7 =	sld [smem:$0x3F99]  }
0x1a: {  	s8 =	sadd.s32 $0xFFFFE003, lr  }
0x1b: {  	s9 =	sadd.s32 $0xFFFFFEF7, lr;
	s5 =	simm.s32 $0xFFFFFFFF;
	p2 =	slt.u32 s8, $0xFFFFF086  }
0x1c: {  	p1 =	slt.u32 s9, $0xF7A;
	s5 =	simm.s32 @!p2 $0x0  }
0x1d: {  	s5 =	simm.s32 @p1 $0x1;
	p0 =	seq.s32 s7, s2  }
0x1e: {  	s7 =	smul.u32 @!p0 $0xF7A, s2;
	p2 =	seq.s32 @!p0 s5, $0x0  }
0x1f: {  	s9 =	smul.u32 $0xF7A, s1;
	s8 =	simm.s32 @!p0 $0x1BF5;
	p2 =	por !p2, p0  }
0x20: {  	[sflag:s8] =	ssyncset.s32 @!p0 $0xFFFFF086;
	s6 =	sadd.s32 @!p0 s3, s7;
	s7 =	simm.s32 @!p0 $0x108  }
0x21: {  	s3 =	sadd.s32 s3, s9;
	s6 =	sadd.s32 @!p0 $0x88, s6;
	s7 =	simm.s32 @p2 $0x1082  }
0x22: {  	[simem:s7], [sflag:s8] =	dma.local @!p0 [hbm:s6], $0xF7A  }
0x23: {  	s9 =	sor.u32 $0xD0000000, s2;
	s6 =	simm.s32 $0x108;
	_ =	swait.ge @!p0 [sflag:s8], $0x0  }
0x24: {  	s3 =	sadd.s32 $0x88, s3;
	s6 =	simm.s32 @!p1 $0x1082;
	[sflag:s4] =	ssyncset.s32 $0xFFFFF086  }
0x25: {  	[simem:s6], [sflag:s4] =	dma.local [hbm:s3], $0xF7A  }
0x26: {  	[smem:$0x3F99] =	sst s1;
	(tag) =	ssettag s2;
	_ =	strace s9  }
0x27: {  	s1 =	sld [smem:$0x3FA9]  }
0x28: {  	s2 =	sld [smem:$0x3FAA]  }
0x29: {  	s4 =	sld [smem:$0x3FAC]  }
0x2a: {  	p0 =	seq.s32 s5, $0x0;
	s5 =	sld [smem:$0x3FAD]  }
0x2b: {  	s6 =	sld [smem:$0x3FAE]  }
0x2c: {  	s7 =	sld [smem:$0x3FAF]  }
0x2d: {  	s3 =	simm.s32 $0x108;
	s8 =	sld [smem:$0x3FB0]  }
0x2e: {  	s3 =	simm.s32 @!p0 $0x1082;
	s9 =	sld [smem:$0x3FB1]  }
0x2f: {  	lr =	sadd.s32 s0, s3;
	s0 =	sld [smem:$0x3FA8]  }
0x30: {  	s3 =	sld [smem:$0x3FAB]  }
0x31: {  	[smem:$0x3FB4] =	sst s10  }
0x32: {  	s10 =	sld [smem:$0x3FB2];
	_ =	sdelay $0x3  }
0x33: {  	p0 =	seq.s32 s10, $0x1;
	s10 =	sld [smem:$0x3FB4];
	_ =	sdelay $0x3  }
0x34: {  	[smem:$0x3FB4] =	sst s10  }
0x35: {  	s10 =	sld [smem:$0x3FB3];
	_ =	sdelay $0x3  }
0x36: {  	p1 =	seq.s32 s10, $0x1;
	s10 =	sld [smem:$0x3FB4];
	_ =	sdelay $0x3  }
0x37: {  	[smem:$0x3FB4] =	sst s10  }
0x38: {  	s10 =	sld [smem:$0x3FB5]  }
0x39: {  	_ = 	snop;
	(pc) =	sbr.ind lr, $3  }
0x3a: {  	_ = 	snop  }
0x3b: {  	_ = 	snop  }
0x3c: {  	p2 =	seq.s32 s10, $0x1;
	s10 =	sld [smem:$0x3FB4]  }
0x3d: {  	_ =	shalt  }
0x3e: {  	_ =	shalt  }
0x3f: {  	_ =	shalt  }
0x40: {  	_ =	shalt  }
0x41: {  	_ =	shalt  }
0x42: {  	_ =	shalt  }
0x43: {  	_ =	shalt  }
0x44: {  	_ =	shalt  }
0x45: {  	_ =	shalt  }
0x46: {  	_ =	shalt  }
0x47: {  	_ =	shalt  }
0x48: {  	_ =	shalt  }
0x49: {  	_ =	shalt  }
0x4a: {  	_ =	shalt  }
0x4b: {  	_ =	shalt  }
0x4c: {  	_ =	shalt  }
0x4d: {  	_ =	shalt  }
0x4e: {  	_ =	shalt  }
0x4f: {  	_ =	shalt  }
0x50: {  	_ =	shalt  }
0x51: {  	_ =	shalt  }
0x52: {  	_ =	shalt  }
0x53: {  	_ =	shalt  }
0x54: {  	_ =	shalt  }
0x55: {  	_ =	shalt  }
0x56: {  	_ =	shalt  }
0x57: {  	_ =	shalt  }
0x58: {  	_ =	shalt  }
0x59: {  	_ =	shalt  }
0x5a: {  	_ =	shalt  }
0x5b: {  	_ =	shalt  }
0x5c: {  	_ =	shalt  }
0x5d: {  	_ =	shalt  }
0x5e: {  	_ =	shalt  }
0x5f: {  	_ =	shalt  }
0x60: {  	_ =	shalt  }
0x61: {  	_ =	shalt  }
0x62: {  	_ =	shalt  }
0x63: {  	_ =	shalt  }
0x64: {  	_ =	shalt  }
0x65: {  	_ =	shalt  }
0x66: {  	_ =	shalt  }
0x67: {  	_ =	shalt  }
0x68: {  	_ =	shalt  }
0x69: {  	_ =	shalt  }
0x6a: {  	_ =	shalt  }
0x6b: {  	_ =	shalt  }
0x6c: {  	_ =	shalt  }
0x6d: {  	_ =	shalt  }
0x6e: {  	_ =	shalt  }
0x6f: {  	_ =	shalt  }
0x70: {  	_ =	shalt  }
0x71: {  	_ =	shalt  }
0x72: {  	_ =	shalt  }
0x73: {  	_ =	shalt  }
0x74: {  	_ =	shalt  }
0x75: {  	_ =	shalt  }
0x76: {  	_ =	shalt  }
0x77: {  	_ =	shalt  }
0x78: {  	_ =	shalt  }
0x79: {  	_ =	shalt  }
0x7a: {  	_ =	shalt  }
0x7b: {  	_ =	shalt  }
0x7c: {  	_ =	shalt  }
0x7d: {  	_ =	shalt  }
0x7e: {  	_ =	shalt  }
0x7f: {  	_ =	shalt  }
0x80: {  	_ =	shalt  }
0x81: {  	_ =	shalt  }
0x82: {  	_ =	shalt  }
0x83: {  	_ =	shalt  }
0x84: {  	_ =	shalt  }
0x85: {  	_ =	shalt  }
0x86: {  	_ =	shalt  }
0x87: {  	_ =	shalt  }
.Lfunc_end0:
.L_simem_size_0:
called_computation.4_lowered:
.L_overlay_start_0:
0x88: {  	s2 =	sld [smem:$0x3FD9]  }
0x89: {  	s3 =	sld [smem:$0x3FFE];
	_ =	sdelay $0x1  }
0x8a: {  	s1 =	srdreg.scid  }
0x8b: {  	s0 =	sand.u32 $0x1, s1  }
0x8c: {  	s15 =	sshll.u32 s0, $0xA;
	s2 =	sadd.s32 s3, s2  }
0x8d: {  	s2 =	sadd.s32 s2, s15  }
0x8e: {  	[smem:$0x3FC0] =	sst s2  }
0x8f: {  	_ = 	snop  }
0x90: {  	s2 =	sld [smem:$0x3FD0];
	_ =	sdelay $0x2  }
0x91: {  	s16 =	simm.s32 $0xB;
	s4 =	simm.s32 $0x10  }
0x92: {  	[smem:s4], [sflag:s16] =	dma.local [hbm:s2], $0x1  }
0x93: {  	_ =	swait.eq [sflag:s16], $0x1  }
0x94: {  	[sflag:s16] =	ssyncset.done $0x0  }
0x95: {  	[sflag:s16] =	ssyncadd.s32 $0xFFFFFFFF  }
0x96: {  	s17 =	sld [smem:$0x10];
	(tm) =	ssettm $0x1  }
0x97: {  	s18 =	sld [smem:$0x3FFB];
	_ =	sdelay $0x3  }
0x98: {  	_ =	strace s18  }
0x99: {  	s2 =	sld [smem:$0x3FFC];
	_ =	sdelay $0x3  }
0x9a: {  	_ =	strace s2  }
0x9b: {  	s2 =	sld [smem:$0x3FFD];
	_ =	sdelay $0x3  }
0x9c: {  	_ =	strace s2  }
0x9d: {  	_ =	strace $0x8FFFFFFF  }
0x9e: {  	s19 =	sld [smem:$0x3FDB];
	_ =	sdelay $0x1  }
0x9f: {  	s20 =	simm.s32 $_scs_section_size  }
0xa0: {  	s5 =	simm.s32 $_size__tile_overlayer_lowered;
	s6 =	simm.s32 $_tile_overlayer_lowered  }
0xa1: {  	s7 =	simm.s32 $0x1BFF;
	s21 =	sshll.u32 s6, $0x1;
	s4 =	sadd.s32 s20, s19  }
0xa2: {  	s22 =	simm.s32 $0x0;
	s5 =	sshll.u32 s5, $0x1;
	s6 =	sadd.s32 s21, s4  }
0xa3: {  	[timem:s22], [sflag:s7] =	dma.local [hbm:s6], s5  }
0xa4: {  	_ =	swait.ge [sflag:s7], s5  }
0xa5: {  	s5 =	ssub.s32 $0x0, s5;
	[sflag:s7] =	ssyncset.done $0x0  }
0xa6: {  	[sflag:s7] =	ssyncadd.s32 s5;
	_ =	sdelay $0x1  }
0xa7: {  	s23 =	simm.s32 $0x1B8B  }
0xa8: {  	_ =	swait.ge [sflag:s23], $0x1  }
0xa9: {  	[sflag:s23] =	ssyncset.done $0x0  }
0xaa: {  	[sflag:s23] =	ssyncadd.s32 $0xFFFFFFFF  }
0xab: {  	s5 =	sld [smem:$0x0]  }
0xac: {  	s6 =	sand.u32 $0xFFFFFFFE, s1  }
0xad: {  	p0 =	sne.s32 s1, s6  }
0xae: {  	s6 =	sshll.u32 @p0 s6, $0xE  }
0xaf: {  	s6 =	sadd.s32 @p0 $0x11B8D, s6;
	s7 =	sshll.u32 @p0 s5, $0x11  }
0xb0: {  	s6 =	sor.u32 @p0 s7, s6  }
0xb1: {  	[sflag:s6] =	ssyncadd.remote.s32 @p0 $0x1;
	_ =	sdelay $0x1  }
0xb2: {  	s6 =	simm.s32 @p0 $0x1B8D  }
0xb3: {  	_ =	swait.eq @p0 [sflag:s6], $0x1  }
0xb4: {  	[sflag:s6] =	ssyncadd.s32 @p0 $0xFFFFFFFF  }
0xb5: {  	s7 =	sshll.u32 @!p0 s1, $0xE  }
0xb6: {  	s7 =	sor.u32 @!p0 $0x4000, s7;
	s6 =	simm.s32 @!p0 $0x1B8D  }
0xb7: {  	s5 =	sshll.u32 @!p0 s5, $0x11;
	s7 =	sadd.s32 @!p0 $0x11B8D, s7;
	_ =	swait.eq @!p0 [sflag:s6], $0x1  }
0xb8: {  	s5 =	sor.u32 @!p0 s5, s7;
	[sflag:s6] =	ssyncadd.s32 @!p0 $0xFFFFFFFF  }
0xb9: {  	s25 =	simm.s32 $0x1B8E;
	s24 =	sld [smem:$0x3FFE];
	[sflag:s5] =	ssyncadd.remote.s32 @!p0 $0x1  }
0xba: {  	s26 =	simm.s32 $execute0_lowered;
	[smem:$0x3FD2] =	sst s25  }
0xbb: {  	s6 =	sshll.u32 s26, $0x1;
	_ =	strace $0x80000055;
	[dreg:$0x1] =	wrdreg $0xFFFFFFFF  }
0xbc: {  	s28 =	simm.s32 $_size_execute0_lowered;
	s4 =	sadd.s32 s4, s6;
	[dreg:$0x0] =	wrdreg $0x0  }
0xbd: {  	s6 =	sshll.u32 s28, $0x1;
	[dreg:$0x2] =	wrdreg s4  }
0xbe: {  	[dreg:$0x3] =	wrdreg s6  }
0xbf: {  	[dreg:$0x4] =	wrdreg $0xC0  }
0xc0: {  	_ =	task [dreg:s22], $0x5FFFF  }
0xc1: {  	[dreg:$0x1] =	wrdreg $0xFFFFFFFF  }
0xc2: {  	[dreg:$0x0] =	wrdreg $0x60  }
0xc3: {  	[dreg:$0x2] =	wrdreg s24  }
0xc4: {  	[dreg:$0x3] =	wrdreg s17  }
0xc5: {  	[dreg:$0x4] =	wrdreg $0x90000  }
0xc6: {  	[dreg:$0x5] =	wrdreg $0x9  }
0xc7: {  	_ =	task.clear_ibuf [dreg:s22], $0x6FFFF;
	_ =	strace $0x90000055  }
0xc8: {  	s29 =	simm.s32 $0x9;
	_ =	strace $0x80000057  }
0xc9: {  	_ =	swait.ge [sflag:s29], $0x1  }
0xca: {  	[sflag:s29] =	ssyncadd.s32 $0xFFFFFFFF  }
0xcb: {  	_ =	strace $0x90000057  }
0xcc: {  	_ =	sfence  }
0xcd: {  	s30 =	sld [smem:$0x0];
	_ =	sdelay $0x2  }
0xce: {  	s31 =	sshll.u32 s1, $0xD;
	s1 =	sshrl.u32 s1, $0x2  }
0xcf: {  	s4 =	sand.u32 $0x4000, s31;
	s1 =	sadd.s32 s1, s30  }
0xd0: {  	s0 =	sor.u32 s4, s0;
	s1 =	sshll.u32 s1, $0x11  }
0xd1: {  	s0 =	sor.u32 s1, s0  }
0xd2: {  	s0 =	sadd.s32 $0x8F2B, s0  }
0xd3: {  	[sflag:s0] =	ssyncadd.remote.s32 $0x1  }
0xd4: {  	_ =	sfence.sel $0xFFFF  }
0xd5: {  	[dreg:$0x0] =	wrdreg $0xFFFFFFFF;
	(pc) =	sbr.abs _section_cstart, $3  }
0xd6: {  	[dreg:$0x1] =	wrdreg $0xFFFFFFFF  }
0xd7: {  	_ =	task.clear_ibuf [dreg:s22], $0x2FFFF;
	_ =	strace $0x9FFFFFFF  }
0xd8: {  	(tm) =	ssettm $0x7FFFFFFF  }
0xd9: {  	_ =	shalt  }
tec
execute0_lowered:
.L_overlay_start_1:
0x0: {  	(tag) =	ssettag $0x1  }
0x1: {  	s6 =	rddreg [dreg:$0x0]  }
0x2: {  	s0 =	srdreg.scid;
	s7 =	rddreg [dreg:$0x1]  }
0x3: {  	s2 =	rddreg [dreg:$0x2];
	s1 =	stileid.u32;
	s3 =	simm.s32 $0x0  }
0x4: {  	s14 =	simm.s32 $0x5000;
	s5 =	sand.u32 $0x1, s0;
	s0 =	rddreg [dreg:$0x3]  }
0x5: {  	s15 =	simm.s32 $0x1;
	[smem:$0x7FF] =	sst s3;
	s12 =	smul.u32 $0x4F000, s1  }
0x6: {  	s31 =	sshll.u32 s1, $0x6;
	s17 =	smul.u32 $0x2780, s1;
	s4 =	sshll.u32 s5, $0x4  }
0x7: {  	_ =	strace $0x80000056;
	s9 =	smul.u32 $0x27800, s5;
	s11 =	ssub.s32 $0x2, s5  }
0x8: {  	s5 =	sadd.s32 $0x54200, s6;
	s4 =	sor.u32 s1, s4;
	s29 =	sshrl.u32 s11, $0x1  }
0x9: {  	s30 =	sshrl.u32 s12, $0x2;
	s12 =	simm.s32 $0x2800;
	s8 =	smul.u32 $0x500, s4  }
0xa: {  	s4 =	sadd.s32 $0xAFA00, s6;
	s9 =	sadd.s32 s9, s6;
	s11 =	ssub.s32 s11, s29  }
0xb: {  	s13 =	sadd.s32 s30, s2;
	s16 =	sadd.s32 $0xD6C00, s9;
	s9 =	smax.u32 s11, $0x1  }
0xc: {  	s11 =	simm.s32 $0x2;
	s10 =	sadd.s32 s8, s6;
	s6 =	sor.u32 $0x1C02, s31  }
0xd: {  	s7 =	sadd.s32 s7, s8;
	s16 =	sadd.s32 s17, s16;
	s17 =	simm.s32 $0x0  }
0xe: {  	s8 =	sadd.s32 $0xA5A00, s10;
	s10 =	sshrl.u32 s13, $0x3;
	s13 =	simm.s32 $0x80  }
.LBB2_1:
0xf: {  	[spmem:s10], [sflag:s6] =	dma.local [hbm:s5], $0x2780  }
0x10: {  	_ =	swait.ge [sflag:s11], $0x2780  }
0x11: {  	[sflag:s11] =	ssyncset.done $0x0  }
0x12: {  	[sflag:s11] =	ssyncadd.s32 $0xFFFFD880  }
0x13: {  	[tilespmem:s3], [sflag:$0x2] =	stream.linear.gather [hbm4b:s7+s3], $0x2780, $0x38;
	[tilespmem:$0x1CC00] =	vst v63  }
0x14: {  	_ =	swait.ge [sflag:s11], $0x2780  }
0x15: {  	[sflag:s11] =	ssyncset.done $0x0  }
0x16: {  	[sflag:s11] =	ssyncadd.s32 $0xFFFFD880  }
0x17: {  	[tilespmem:s12], [sflag:$0x2] =	stream.linear.gather [hbm4b:s8+s3], $0x2780, $0x38;
	[tilespmem:$0x1CC00] =	vst v63  }
0x18: {  	_ =	swait.ge [sflag:s11], $0x2780  }
0x19: {  	[sflag:s11] =	ssyncset.done $0x0  }
0x1a: {  	[sflag:s11] =	ssyncadd.s32 $0xFFFFD880  }
0x1b: {  	s18 =	simm.s32 $0x0;
	[bflag:$0x0] =	sbarrier.arrive $0xFFFF  }
0x1c: {  	[tilespmem:s14], [sflag:$0x1] =	stream.indirect.gather [hbm4b:s4+s13], $0x80, s18, s13, $0xb8;
	[tilespmem:$0x1CC00] =	vst v63  }
0x1d: {  	_ =	swait.ge [sflag:s15], $0x4000  }
0x1e: {  	[sflag:s15] =	ssyncset.done $0x0  }
0x1f: {  	s31 =	simm.s32 $0x2800;
	[sflag:s15] =	ssyncadd.s32 $0xFFFFC000  }
0x20: {  	[spmem:s2] =	stream.indirect.scatter.add.f32 [tilespmem:s14], [sflag:$0x2], $0x80, s31, s13, $0xb8;
	[tilespmem:$0x1CC00] =	vst v63  }
0x21: {  	_ =	swait.ge [sflag:s11], $0x4000  }
0x22: {  	s19 =	simm.s32 $0x400;
	s18 =	simm.s32 $0x200;
	[sflag:s11] =	ssyncset.done $0x0  }
.LBB2_2:
0x23: {  	s20 =	sshra.s32 s18, $0x2  }
0x24: {  	[sflag:s11] =	ssyncadd.s32 $0xFFFFC000;
	s18 =	smov.u32 s19;
	s21 =	sadd.s32 $0x200, s19  }
0x25: {  	[tilespmem:s14], [sflag:$0x1] =	stream.indirect.gather [hbm4b:s4+s13], $0x80, s20, s13, $0xb8;
	[tilespmem:$0x1CC00] =	vst v63  }
0x26: {  	p0 =	sne.s32 s19, $0x9C00;
	_ =	swait.ge [sflag:s15], $0x4000  }
.Ltmp0:
0x27: {  	[sflag:s15] =	ssyncset.done $0x0;
	(pc) =	sbr.rel @p0 .LBB2_2-.Ltmp0, $4  }
0x28: {  	s19 =	sadd.s32 $0x2800, s20;
	[sflag:s15] =	ssyncadd.s32 $0xFFFFC000  }
0x29: {  	[spmem:s2] =	stream.indirect.scatter.add.f32 [tilespmem:s14], [sflag:$0x2], $0x80, s19, s13, $0xb8;
	[tilespmem:$0x1CC00] =	vst v63  }
0x2a: {  	_ =	swait.ge [sflag:s11], $0x4000  }
0x2b: {  	s19 =	smov.u32 s21;
	[sflag:s11] =	ssyncset.done $0x0  }
0x2c: {  	s18 =	sshra.s32 s18, $0x2;
	[sflag:s11] =	ssyncadd.s32 $0xFFFFC000  }
0x2d: {  	[tilespmem:s14], [sflag:$0x1] =	stream.indirect.gather [hbm4b:s4+s13], $0x80, s18, s13, $0xb8;
	[tilespmem:$0x1CC00] =	vst v63  }
0x2e: {  	_ =	swait.ge [sflag:s15], $0x4000  }
0x2f: {  	[sflag:s15] =	ssyncset.done $0x0  }
0x30: {  	s18 =	sadd.s32 $0x2800, s18;
	[sflag:s15] =	ssyncadd.s32 $0xFFFFC000  }
0x31: {  	[spmem:s2] =	stream.indirect.scatter.add.f32 [tilespmem:s14], [sflag:$0x2], $0x80, s18, s13, $0xb8;
	[tilespmem:$0x1CC00] =	vst v63  }
0x32: {  	_ =	swait.ge [sflag:s11], $0x4000  }
0x33: {  	s17 =	sadd.s32 $0x1, s17;
	[sflag:s11] =	ssyncset.done $0x0  }
0x34: {  	p0 =	sne.s32 s17, s9;
	[sflag:s11] =	ssyncadd.s32 $0xFFFFC000  }
.Ltmp1:
0x35: {  	[bflag:$0x0] =	sbarrier.arrive $0xFFFF;
	(pc) =	sbr.rel @p0 .LBB2_1-.Ltmp1, $4  }
0x36: {  	[hbm:s16], [sflag:s6] =	dma.local [spmem:s10], $0x2780  }
0x37: {  	_ =	swait.ge [sflag:s11], $0x2780  }
0x38: {  	[sflag:s11] =	ssyncset.done $0x0  }
0x39: {  	[sflag:s11] =	ssyncadd.s32 $0xFFFFD880  }
0x3a: {  	_ =	sfence.sel $0x180000  }
0x3b: {  	[bflag:$0x0] =	sbarrier.arrive $0xFFFF  }
0x3c: {  	p0 =	sne.s32 s1, $0x0;
	_ =	strace $0x90000056  }
0x3d: {  	s0 =	sadd.s32 @!p0 $0x100000, s0;
	[bflag:$0x2] =	sbarrier.arrive $0xFFFF  }
0x3e: {  	[sflag:s0] =	ssyncadd.tile.s32 @!p0 $0x1;
	_ =	shalt  }
.Lfunc_end2:
_tile_overlayer_lowered:
.L_overlay_start_2:
0x3f: {  	(tag) =	ssettag $0x2  }
0x40: {  	s0 =	rddreg [dreg:$0x0];
	s2 =	stileid.u32  }
0x41: {  	s1 =	rddreg [dreg:$0x1];
	p0 =	sne.s32 s2, $0x0  }
0x42: {  	s3 =	rddreg [dreg:$0x2];
	[bflag:$0x3] =	sbarrier.arrive $0xFFFF;
	s2 =	simm.s32 @!p0 $0x1C02  }
0x43: {  	[timem:s3], [sflag:s2] =	dma.local @!p0 [hbm:s0], s1  }
0x44: {  	s0 =	simm.s32 @!p0 $0x2  }
0x45: {  	_ =	swait.ge @!p0 [sflag:s0], s1  }
0x46: {  	s1 =	ssub.s32 @!p0 $0x0, s1;
	[sflag:s0] =	ssyncset.done @!p0 $0x0  }
0x47: {  	[sflag:s0] =	ssyncadd.s32 @!p0 s1  }
0x48: {  	[bflag:$0x3] =	sbarrier.arrive $0xFFFF  }
0x49: {  	_ =	shalt  }

// kernel: kernel.29.cloned.1.call-start
scs
__scs_entry_jumppad:
0x0: {  	(pc) =	sbr.rel $0x88, $3  }
0x1: {  	(tag) =	ssettag $0x0;
	lr =	simm.s32 $0x1  }
0x2: {  	[smem:$0x3F99] =	sst lr;
	_ =	strace $0xD0000000  }
0x3: {  	_ = 	snop  }
0x4: {  	_ = 	snop  }
0x5: {  	_ = 	snop  }
0x6: {  	_ = 	snop  }
0x7: {  	_ = 	snop  }
__scs_overlays_trampoline_lowered:
0x8: {  	[smem:$0x3FA8] =	sst s0  }
0x9: {  	[smem:$0x3FA9] =	sst s1  }
0xa: {  	[smem:$0x3FAA] =	sst s2  }
0xb: {  	[smem:$0x3FAB] =	sst s3  }
0xc: {  	[smem:$0x3FAC] =	sst s4  }
0xd: {  	[smem:$0x3FAD] =	sst s5  }
0xe: {  	[smem:$0x3FAE] =	sst s6  }
0xf: {  	[smem:$0x3FAF] =	sst s7  }
0x10: {  	[smem:$0x3FB0] =	sst s8  }
0x11: {  	[smem:$0x3FB1] =	sst s9;
	s0 =	simm.s32 @!p0 $0x0  }
0x12: {  	s1 =	sld [smem:$0x3F97];
	s0 =	simm.s32 @p0 $0x1  }
0x13: {  	[smem:$0x3FB2] =	sst s0;
	s0 =	simm.s32 @!p1 $0x0  }
0x14: {  	s2 =	sld [smem:$0x3F96];
	s0 =	simm.s32 @p1 $0x1  }
0x15: {  	[smem:$0x3FB3] =	sst s0;
	s0 =	simm.s32 @!p2 $0x0  }
0x16: {  	s3 =	sld [smem:$0x3FDB];
	s0 =	simm.s32 @p2 $0x1  }
0x17: {  	s4 =	simm.s32 $0x1BF5;
	[smem:$0x3FB5] =	sst s0  }
0x18: {  	s0 =	sld [smem:$0x3F98];
	_ =	swait.ge [sflag:s4], $0x0  }
0x19: {  	s7 =	sld [smem:$0x3F99]  }
0x1a: {  	s8 =	sadd.s32 $0xFFFFE003, lr  }
0x1b: {  	s9 =	sadd.s32 $0xFFFFFEF7, lr;
	s5 =	simm.s32 $0xFFFFFFFF;
	p2 =	slt.u32 s8, $0xFFFFF086  }
0x1c: {  	p1 =	slt.u32 s9, $0xF7A;
	s5 =	simm.s32 @!p2 $0x0  }
0x1d: {  	s5 =	simm.s32 @p1 $0x1;
	p0 =	seq.s32 s7, s2  }
0x1e: {  	s7 =	smul.u32 @!p0 $0xF7A, s2;
	p2 =	seq.s32 @!p0 s5, $0x0  }
0x1f: {  	s9 =	smul.u32 $0xF7A, s1;
	s8 =	simm.s32 @!p0 $0x1BF5;
	p2 =	por !p2, p0  }
0x20: {  	[sflag:s8] =	ssyncset.s32 @!p0 $0xFFFFF086;
	s6 =	sadd.s32 @!p0 s3, s7;
	s7 =	simm.s32 @!p0 $0x108  }
0x21: {  	s3 =	sadd.s32 s3, s9;
	s6 =	sadd.s32 @!p0 $0x88, s6;
	s7 =	simm.s32 @p2 $0x1082  }
0x22: {  	[simem:s7], [sflag:s8] =	dma.local @!p0 [hbm:s6], $0xF7A  }
0x23: {  	s9 =	sor.u32 $0xD0000000, s2;
	s6 =	simm.s32 $0x108;
	_ =	swait.ge @!p0 [sflag:s8], $0x0  }
0x24: {  	s3 =	sadd.s32 $0x88, s3;
	s6 =	simm.s32 @!p1 $0x1082;
	[sflag:s4] =	ssyncset.s32 $0xFFFFF086  }
0x25: {  	[simem:s6], [sflag:s4] =	dma.local [hbm:s3], $0xF7A  }
0x26: {  	[smem:$0x3F99] =	sst s1;
	(tag) =	ssettag s2;
	_ =	strace s9  }
0x27: {  	s1 =	sld [smem:$0x3FA9]  }
0x28: {  	s2 =	sld [smem:$0x3FAA]  }
0x29: {  	s4 =	sld [smem:$0x3FAC]  }
0x2a: {  	p0 =	seq.s32 s5, $0x0;
	s5 =	sld [smem:$0x3FAD]  }
0x2b: {  	s6 =	sld [smem:$0x3FAE]  }
0x2c: {  	s7 =	sld [smem:$0x3FAF]  }
0x2d: {  	s3 =	simm.s32 $0x108;
	s8 =	sld [smem:$0x3FB0]  }
0x2e: {  	s3 =	simm.s32 @!p0 $0x1082;
	s9 =	sld [smem:$0x3FB1]  }
0x2f: {  	lr =	sadd.s32 s0, s3;
	s0 =	sld [smem:$0x3FA8]  }
0x30: {  	s3 =	sld [smem:$0x3FAB]  }
0x31: {  	[smem:$0x3FB4] =	sst s10  }
0x32: {  	s10 =	sld [smem:$0x3FB2];
	_ =	sdelay $0x3  }
0x33: {  	p0 =	seq.s32 s10, $0x1;
	s10 =	sld [smem:$0x3FB4];
	_ =	sdelay $0x3  }
0x34: {  	[smem:$0x3FB4] =	sst s10  }
0x35: {  	s10 =	sld [smem:$0x3FB3];
	_ =	sdelay $0x3  }
0x36: {  	p1 =	seq.s32 s10, $0x1;
	s10 =	sld [smem:$0x3FB4];
	_ =	sdelay $0x3  }
0x37: {  	[smem:$0x3FB4] =	sst s10  }
0x38: {  	s10 =	sld [smem:$0x3FB5]  }
0x39: {  	_ = 	snop;
	(pc) =	sbr.ind lr, $3  }
0x3a: {  	_ = 	snop  }
0x3b: {  	_ = 	snop  }
0x3c: {  	p2 =	seq.s32 s10, $0x1;
	s10 =	sld [smem:$0x3FB4]  }
0x3d: {  	_ =	shalt  }
0x3e: {  	_ =	shalt  }
0x3f: {  	_ =	shalt  }
0x40: {  	_ =	shalt  }
0x41: {  	_ =	shalt  }
0x42: {  	_ =	shalt  }
0x43: {  	_ =	shalt  }
0x44: {  	_ =	shalt  }
0x45: {  	_ =	shalt  }
0x46: {  	_ =	shalt  }
0x47: {  	_ =	shalt  }
0x48: {  	_ =	shalt  }
0x49: {  	_ =	shalt  }
0x4a: {  	_ =	shalt  }
0x4b: {  	_ =	shalt  }
0x4c: {  	_ =	shalt  }
0x4d: {  	_ =	shalt  }
0x4e: {  	_ =	shalt  }
0x4f: {  	_ =	shalt  }
0x50: {  	_ =	shalt  }
0x51: {  	_ =	shalt  }
0x52: {  	_ =	shalt  }
0x53: {  	_ =	shalt  }
0x54: {  	_ =	shalt  }
0x55: {  	_ =	shalt  }
0x56: {  	_ =	shalt  }
0x57: {  	_ =	shalt  }
0x58: {  	_ =	shalt  }
0x59: {  	_ =	shalt  }
0x5a: {  	_ =	shalt  }
0x5b: {  	_ =	shalt  }
0x5c: {  	_ =	shalt  }
0x5d: {  	_ =	shalt  }
0x5e: {  	_ =	shalt  }
0x5f: {  	_ =	shalt  }
0x60: {  	_ =	shalt  }
0x61: {  	_ =	shalt  }
0x62: {  	_ =	shalt  }
0x63: {  	_ =	shalt  }
0x64: {  	_ =	shalt  }
0x65: {  	_ =	shalt  }
0x66: {  	_ =	shalt  }
0x67: {  	_ =	shalt  }
0x68: {  	_ =	shalt  }
0x69: {  	_ =	shalt  }
0x6a: {  	_ =	shalt  }
0x6b: {  	_ =	shalt  }
0x6c: {  	_ =	shalt  }
0x6d: {  	_ =	shalt  }
0x6e: {  	_ =	shalt  }
0x6f: {  	_ =	shalt  }
0x70: {  	_ =	shalt  }
0x71: {  	_ =	shalt  }
0x72: {  	_ =	shalt  }
0x73: {  	_ =	shalt  }
0x74: {  	_ =	shalt  }
0x75: {  	_ =	shalt  }
0x76: {  	_ =	shalt  }
0x77: {  	_ =	shalt  }
0x78: {  	_ =	shalt  }
0x79: {  	_ =	shalt  }
0x7a: {  	_ =	shalt  }
0x7b: {  	_ =	shalt  }
0x7c: {  	_ =	shalt  }
0x7d: {  	_ =	shalt  }
0x7e: {  	_ =	shalt  }
0x7f: {  	_ =	shalt  }
0x80: {  	_ =	shalt  }
0x81: {  	_ =	shalt  }
0x82: {  	_ =	shalt  }
0x83: {  	_ =	shalt  }
0x84: {  	_ =	shalt  }
0x85: {  	_ =	shalt  }
0x86: {  	_ =	shalt  }
0x87: {  	_ =	shalt  }
.Lfunc_end0:
.L_simem_size_0:
called_computation.5_lowered:
.L_overlay_start_0:
0x88: {  	s2 =	sld [smem:$0x3FD9]  }
0x89: {  	s3 =	sld [smem:$0x3FFE];
	_ =	sdelay $0x1  }
0x8a: {  	s1 =	srdreg.scid  }
0x8b: {  	s0 =	sand.u32 $0x1, s1  }
0x8c: {  	s15 =	sshll.u32 s0, $0xA;
	s2 =	sadd.s32 s3, s2  }
0x8d: {  	s2 =	sadd.s32 s2, s15  }
0x8e: {  	[smem:$0x3FC0] =	sst s2  }
0x8f: {  	_ = 	snop  }
0x90: {  	s2 =	sld [smem:$0x3FD0];
	_ =	sdelay $0x2  }
0x91: {  	s16 =	simm.s32 $0xB;
	s4 =	simm.s32 $0x10  }
0x92: {  	[smem:s4], [sflag:s16] =	dma.local [hbm:s2], $0x1  }
0x93: {  	_ =	swait.eq [sflag:s16], $0x1  }
0x94: {  	[sflag:s16] =	ssyncset.done $0x0  }
0x95: {  	[sflag:s16] =	ssyncadd.s32 $0xFFFFFFFF  }
0x96: {  	s17 =	sld [smem:$0x11];
	(tm) =	ssettm $0x1  }
0x97: {  	s18 =	sld [smem:$0x3FFB];
	_ =	sdelay $0x3  }
0x98: {  	_ =	strace s18  }
0x99: {  	s2 =	sld [smem:$0x3FFC];
	_ =	sdelay $0x3  }
0x9a: {  	_ =	strace s2  }
0x9b: {  	s2 =	sld [smem:$0x3FFD];
	_ =	sdelay $0x3  }
0x9c: {  	_ =	strace s2  }
0x9d: {  	_ =	strace $0x8FFFFFFF  }
0x9e: {  	s19 =	sld [smem:$0x3FDB];
	_ =	sdelay $0x1  }
0x9f: {  	s20 =	simm.s32 $_scs_section_size  }
0xa0: {  	s5 =	simm.s32 $_size__tile_overlayer_lowered;
	s6 =	simm.s32 $_tile_overlayer_lowered  }
0xa1: {  	s7 =	simm.s32 $0x1BFF;
	s21 =	sshll.u32 s6, $0x1;
	s4 =	sadd.s32 s20, s19  }
0xa2: {  	s22 =	simm.s32 $0x0;
	s5 =	sshll.u32 s5, $0x1;
	s6 =	sadd.s32 s21, s4  }
0xa3: {  	[timem:s22], [sflag:s7] =	dma.local [hbm:s6], s5  }
0xa4: {  	_ =	swait.ge [sflag:s7], s5  }
0xa5: {  	s5 =	ssub.s32 $0x0, s5;
	[sflag:s7] =	ssyncset.done $0x0  }
0xa6: {  	[sflag:s7] =	ssyncadd.s32 s5;
	_ =	sdelay $0x1  }
0xa7: {  	s23 =	simm.s32 $0x1B8B  }
0xa8: {  	_ =	swait.ge [sflag:s23], $0x1  }
0xa9: {  	[sflag:s23] =	ssyncset.done $0x0  }
0xaa: {  	[sflag:s23] =	ssyncadd.s32 $0xFFFFFFFF  }
0xab: {  	s5 =	sld [smem:$0x0]  }
0xac: {  	s6 =	sand.u32 $0xFFFFFFFE, s1  }
0xad: {  	p0 =	sne.s32 s1, s6  }
0xae: {  	s6 =	sshll.u32 @p0 s6, $0xE  }
0xaf: {  	s6 =	sadd.s32 @p0 $0x11B8D, s6;
	s7 =	sshll.u32 @p0 s5, $0x11  }
0xb0: {  	s6 =	sor.u32 @p0 s7, s6  }
0xb1: {  	[sflag:s6] =	ssyncadd.remote.s32 @p0 $0x1;
	_ =	sdelay $0x1  }
0xb2: {  	s6 =	simm.s32 @p0 $0x1B8D  }
0xb3: {  	_ =	swait.eq @p0 [sflag:s6], $0x1  }
0xb4: {  	[sflag:s6] =	ssyncadd.s32 @p0 $0xFFFFFFFF  }
0xb5: {  	s7 =	sshll.u32 @!p0 s1, $0xE  }
0xb6: {  	s7 =	sor.u32 @!p0 $0x4000, s7;
	s6 =	simm.s32 @!p0 $0x1B8D  }
0xb7: {  	s5 =	sshll.u32 @!p0 s5, $0x11;
	s7 =	sadd.s32 @!p0 $0x11B8D, s7;
	_ =	swait.eq @!p0 [sflag:s6], $0x1  }
0xb8: {  	s5 =	sor.u32 @!p0 s5, s7;
	[sflag:s6] =	ssyncadd.s32 @!p0 $0xFFFFFFFF  }
0xb9: {  	s25 =	simm.s32 $0x1B8E;
	s24 =	sld [smem:$0x3FFE];
	[sflag:s5] =	ssyncadd.remote.s32 @!p0 $0x1  }
0xba: {  	s26 =	simm.s32 $execute0_lowered;
	[smem:$0x3FD2] =	sst s25  }
0xbb: {  	s6 =	sshll.u32 s26, $0x1;
	_ =	strace $0x80000052;
	[dreg:$0x1] =	wrdreg $0xFFFFFFFF  }
0xbc: {  	s28 =	simm.s32 $_size_execute0_lowered;
	s4 =	sadd.s32 s4, s6;
	[dreg:$0x0] =	wrdreg $0x0  }
0xbd: {  	s6 =	sshll.u32 s28, $0x1;
	[dreg:$0x2] =	wrdreg s4  }
0xbe: {  	[dreg:$0x3] =	wrdreg s6  }
0xbf: {  	[dreg:$0x4] =	wrdreg $0xC0  }
0xc0: {  	_ =	task [dreg:s22], $0x5FFFF  }
0xc1: {  	[dreg:$0x1] =	wrdreg $0xFFFFFFFF  }
0xc2: {  	[dreg:$0x0] =	wrdreg $0x60  }
0xc3: {  	[dreg:$0x2] =	wrdreg s24  }
0xc4: {  	[dreg:$0x3] =	wrdreg s17  }
0xc5: {  	[dreg:$0x4] =	wrdreg $0x90000  }
0xc6: {  	[dreg:$0x5] =	wrdreg $0xA  }
0xc7: {  	_ =	task.clear_ibuf [dreg:s22], $0x6FFFF;
	_ =	strace $0x90000052  }
0xc8: {  	s29 =	simm.s32 $0xA;
	_ =	strace $0x80000054  }
0xc9: {  	_ =	swait.ge [sflag:s29], $0x1  }
0xca: {  	[sflag:s29] =	ssyncadd.s32 $0xFFFFFFFF  }
0xcb: {  	_ =	strace $0x90000054  }
0xcc: {  	_ =	sfence  }
0xcd: {  	s30 =	sld [smem:$0x0];
	_ =	sdelay $0x2  }
0xce: {  	s31 =	sshll.u32 s1, $0xD;
	s1 =	sshrl.u32 s1, $0x2  }
0xcf: {  	s4 =	sand.u32 $0x4000, s31;
	s1 =	sadd.s32 s1, s30  }
0xd0: {  	s0 =	sor.u32 s4, s0;
	s1 =	sshll.u32 s1, $0x11  }
0xd1: {  	s0 =	sor.u32 s1, s0  }
0xd2: {  	s0 =	sadd.s32 $0x8F2B, s0  }
0xd3: {  	[sflag:s0] =	ssyncadd.remote.s32 $0x1  }
0xd4: {  	_ =	sfence.sel $0xFFFF  }
0xd5: {  	[dreg:$0x0] =	wrdreg $0xFFFFFFFF;
	(pc) =	sbr.abs _section_cstart, $3  }
0xd6: {  	[dreg:$0x1] =	wrdreg $0xFFFFFFFF  }
0xd7: {  	_ =	task.clear_ibuf [dreg:s22], $0x2FFFF;
	_ =	strace $0x9FFFFFFF  }
0xd8: {  	(tm) =	ssettm $0x7FFFFFFF  }
0xd9: {  	_ =	shalt  }
tec
execute0_lowered:
.L_overlay_start_1:
0x0: {  	(tag) =	ssettag $0x1  }
0x1: {  	s6 =	rddreg [dreg:$0x0]  }
0x2: {  	s0 =	srdreg.scid;
	s7 =	rddreg [dreg:$0x1]  }
0x3: {  	s2 =	rddreg [dreg:$0x2];
	s1 =	stileid.u32;
	s3 =	simm.s32 $0x0  }
0x4: {  	s14 =	simm.s32 $0x5000;
	s5 =	sand.u32 $0x1, s0;
	s0 =	rddreg [dreg:$0x3]  }
0x5: {  	s15 =	simm.s32 $0x1;
	[smem:$0x7FF] =	sst s3;
	s12 =	smul.u32 $0x4F000, s1  }
0x6: {  	s31 =	sshll.u32 s1, $0x6;
	s17 =	smul.u32 $0x2780, s1;
	s4 =	sshll.u32 s5, $0x4  }
0x7: {  	_ =	strace $0x80000053;
	s9 =	smul.u32 $0x27800, s5;
	s11 =	ssub.s32 $0x2, s5  }
0x8: {  	s5 =	sadd.s32 $0x54200, s6;
	s4 =	sor.u32 s1, s4;
	s29 =	sshrl.u32 s11, $0x1  }
0x9: {  	s30 =	sshrl.u32 s12, $0x2;
	s12 =	simm.s32 $0x2800;
	s8 =	smul.u32 $0x500, s4  }
0xa: {  	s4 =	sadd.s32 $0x2D000, s6;
	s9 =	sadd.s32 s9, s6;
	s11 =	ssub.s32 s11, s29  }
0xb: {  	s13 =	sadd.s32 s30, s2;
	s16 =	sadd.s32 $0x56A00, s9;
	s9 =	smax.u32 s11, $0x1  }
0xc: {  	s11 =	simm.s32 $0x2;
	s10 =	sadd.s32 s8, s6;
	s6 =	sor.u32 $0x1C02, s31  }
0xd: {  	s7 =	sadd.s32 s7, s8;
	s16 =	sadd.s32 s17, s16;
	s17 =	simm.s32 $0x0  }
0xe: {  	s8 =	sadd.s32 $0x23000, s10;
	s10 =	sshrl.u32 s13, $0x3;
	s13 =	simm.s32 $0x80  }
.LBB2_1:
0xf: {  	[spmem:s10], [sflag:s6] =	dma.local [hbm:s5], $0x2780  }
0x10: {  	_ =	swait.ge [sflag:s11], $0x2780  }
0x11: {  	[sflag:s11] =	ssyncset.done $0x0  }
0x12: {  	[sflag:s11] =	ssyncadd.s32 $0xFFFFD880  }
0x13: {  	[tilespmem:s3], [sflag:$0x2] =	stream.linear.gather [hbm4b:s7+s3], $0x2780, $0x38;
	[tilespmem:$0x1CC00] =	vst v63  }
0x14: {  	_ =	swait.ge [sflag:s11], $0x2780  }
0x15: {  	[sflag:s11] =	ssyncset.done $0x0  }
0x16: {  	[sflag:s11] =	ssyncadd.s32 $0xFFFFD880  }
0x17: {  	[tilespmem:s12], [sflag:$0x2] =	stream.linear.gather [hbm4b:s8+s3], $0x2780, $0x38;
	[tilespmem:$0x1CC00] =	vst v63  }
0x18: {  	_ =	swait.ge [sflag:s11], $0x2780  }
0x19: {  	[sflag:s11] =	ssyncset.done $0x0  }
0x1a: {  	[sflag:s11] =	ssyncadd.s32 $0xFFFFD880  }
0x1b: {  	s18 =	simm.s32 $0x0;
	[bflag:$0x0] =	sbarrier.arrive $0xFFFF  }
0x1c: {  	[tilespmem:s14], [sflag:$0x1] =	stream.indirect.gather [hbm4b:s4+s13], $0x80, s18, s13, $0xb8;
	[tilespmem:$0x1CC00] =	vst v63  }
0x1d: {  	_ =	swait.ge [sflag:s15], $0x4000  }
0x1e: {  	[sflag:s15] =	ssyncset.done $0x0  }
0x1f: {  	s31 =	simm.s32 $0x2800;
	[sflag:s15] =	ssyncadd.s32 $0xFFFFC000  }
0x20: {  	[spmem:s2] =	stream.indirect.scatter.add.f32 [tilespmem:s14], [sflag:$0x2], $0x80, s31, s13, $0xb8;
	[tilespmem:$0x1CC00] =	vst v63  }
0x21: {  	_ =	swait.ge [sflag:s11], $0x4000  }
0x22: {  	s19 =	simm.s32 $0x400;
	s18 =	simm.s32 $0x200;
	[sflag:s11] =	ssyncset.done $0x0  }
.LBB2_2:
0x23: {  	s20 =	sshra.s32 s18, $0x2  }
0x24: {  	[sflag:s11] =	ssyncadd.s32 $0xFFFFC000;
	s18 =	smov.u32 s19;
	s21 =	sadd.s32 $0x200, s19  }
0x25: {  	[tilespmem:s14], [sflag:$0x1] =	stream.indirect.gather [hbm4b:s4+s13], $0x80, s20, s13, $0xb8;
	[tilespmem:$0x1CC00] =	vst v63  }
0x26: {  	p0 =	sne.s32 s19, $0x9C00;
	_ =	swait.ge [sflag:s15], $0x4000  }
.Ltmp0:
0x27: {  	[sflag:s15] =	ssyncset.done $0x0;
	(pc) =	sbr.rel @p0 .LBB2_2-.Ltmp0, $4  }
0x28: {  	s19 =	sadd.s32 $0x2800, s20;
	[sflag:s15] =	ssyncadd.s32 $0xFFFFC000  }
0x29: {  	[spmem:s2] =	stream.indirect.scatter.add.f32 [tilespmem:s14], [sflag:$0x2], $0x80, s19, s13, $0xb8;
	[tilespmem:$0x1CC00] =	vst v63  }
0x2a: {  	_ =	swait.ge [sflag:s11], $0x4000  }
0x2b: {  	s19 =	smov.u32 s21;
	[sflag:s11] =	ssyncset.done $0x0  }
0x2c: {  	s18 =	sshra.s32 s18, $0x2;
	[sflag:s11] =	ssyncadd.s32 $0xFFFFC000  }
0x2d: {  	[tilespmem:s14], [sflag:$0x1] =	stream.indirect.gather [hbm4b:s4+s13], $0x80, s18, s13, $0xb8;
	[tilespmem:$0x1CC00] =	vst v63  }
0x2e: {  	_ =	swait.ge [sflag:s15], $0x4000  }
0x2f: {  	[sflag:s15] =	ssyncset.done $0x0  }
0x30: {  	s18 =	sadd.s32 $0x2800, s18;
	[sflag:s15] =	ssyncadd.s32 $0xFFFFC000  }
0x31: {  	[spmem:s2] =	stream.indirect.scatter.add.f32 [tilespmem:s14], [sflag:$0x2], $0x80, s18, s13, $0xb8;
	[tilespmem:$0x1CC00] =	vst v63  }
0x32: {  	_ =	swait.ge [sflag:s11], $0x4000  }
0x33: {  	s17 =	sadd.s32 $0x1, s17;
	[sflag:s11] =	ssyncset.done $0x0  }
0x34: {  	p0 =	sne.s32 s17, s9;
	[sflag:s11] =	ssyncadd.s32 $0xFFFFC000  }
.Ltmp1:
0x35: {  	[bflag:$0x0] =	sbarrier.arrive $0xFFFF;
	(pc) =	sbr.rel @p0 .LBB2_1-.Ltmp1, $4  }
0x36: {  	[hbm:s16], [sflag:s6] =	dma.local [spmem:s10], $0x2780  }
0x37: {  	_ =	swait.ge [sflag:s11], $0x2780  }
0x38: {  	[sflag:s11] =	ssyncset.done $0x0  }
0x39: {  	[sflag:s11] =	ssyncadd.s32 $0xFFFFD880  }
0x3a: {  	_ =	sfence.sel $0x180000  }
0x3b: {  	[bflag:$0x0] =	sbarrier.arrive $0xFFFF  }
0x3c: {  	p0 =	sne.s32 s1, $0x0;
	_ =	strace $0x90000053  }
0x3d: {  	s0 =	sadd.s32 @!p0 $0x100000, s0;
	[bflag:$0x2] =	sbarrier.arrive $0xFFFF  }
0x3e: {  	[sflag:s0] =	ssyncadd.tile.s32 @!p0 $0x1;
	_ =	shalt  }
.Lfunc_end2:
_tile_overlayer_lowered:
.L_overlay_start_2:
0x3f: {  	(tag) =	ssettag $0x2  }
0x40: {  	s0 =	rddreg [dreg:$0x0];
	s2 =	stileid.u32  }
0x41: {  	s1 =	rddreg [dreg:$0x1];
	p0 =	sne.s32 s2, $0x0  }
0x42: {  	s3 =	rddreg [dreg:$0x2];
	[bflag:$0x3] =	sbarrier.arrive $0xFFFF;
	s2 =	simm.s32 @!p0 $0x1C02  }
0x43: {  	[timem:s3], [sflag:s2] =	dma.local @!p0 [hbm:s0], s1  }
0x44: {  	s0 =	simm.s32 @!p0 $0x2  }
0x45: {  	_ =	swait.ge @!p0 [sflag:s0], s1  }
0x46: {  	s1 =	ssub.s32 @!p0 $0x0, s1;
	[sflag:s0] =	ssyncset.done @!p0 $0x0  }
0x47: {  	[sflag:s0] =	ssyncadd.s32 @!p0 s1  }
0x48: {  	[bflag:$0x3] =	sbarrier.arrive $0xFFFF  }
0x49: {  	_ =	shalt  }

</sc_bundles>
